<compile_context>
chip_gen: v7x
topology: tpu7x:2x2x1
jax: 0.10.2.dev20260603
libtpu: 0.0.44.dev20260713+nightly
codegen_flags: <defaults>
</compile_context>

<pallas_src>
import functools

import jax
import jax.numpy as jnp
from jax import lax
from jax.experimental import pallas as pl
from jax.experimental.pallas import tpu as pltpu
from jax.experimental.pallas import tpu_sc as plsc

VOCAB = 1000000
EMB_DIM = 64
NUM_CLASS = 38
BATCH = 16384

NUM_CORES = 2
NUM_SUBCORES = 16
NUM_WORKERS = NUM_CORES * NUM_SUBCORES
B_PER_W = BATCH // NUM_WORKERS
LANES = 16
N_GROUPS = B_PER_W // LANES


def _gather_body(emb_hbm, idx_hbm, out_hbm, idx_v, rows_v, sem):
    wid = lax.axis_index("s") * NUM_CORES + lax.axis_index("c")
    pltpu.sync_copy(idx_hbm.at[wid], idx_v)

    lanes = lax.iota(jnp.int32, LANES)

    def fire(g, _):
        vec = idx_v[g, :]
        for k in range(LANES):
            t = lax.reduce_sum(jnp.where(lanes == k, vec, 0), axes=(0,))
            pltpu.async_copy(
                emb_hbm.at[t], rows_v.at[g * LANES + k], sem
            ).start()
        return 0

    lax.fori_loop(0, N_GROUPS, fire, 0)

    def drain(i, _):
        pltpu.make_async_copy(emb_hbm.at[0], rows_v.at[i], sem).wait()
        return 0

    lax.fori_loop(0, B_PER_W, drain, 0)

    pltpu.sync_copy(rows_v, out_hbm.at[wid])


@jax.jit
def _sc_gather(emb, idx3d):
    mesh = plsc.VectorSubcoreMesh(core_axis_name="c", subcore_axis_name="s")
    return pl.kernel(
        _gather_body,
        out_type=jax.ShapeDtypeStruct(
            (NUM_WORKERS, B_PER_W, EMB_DIM), jnp.float32
        ),
        mesh=mesh,
        scratch_types=[
            pltpu.VMEM((N_GROUPS, LANES), jnp.int32),
            pltpu.VMEM((B_PER_W, EMB_DIM), jnp.float32),
            pltpu.SemaphoreType.DMA,
        ],
        compiler_params=pltpu.CompilerParams(needs_layout_passes=False),
    )(emb, idx3d)


def _linear_body(x_ref, w_ref, b_ref, o_ref):
    o_ref[...] = (
        jnp.dot(x_ref[...], w_ref[...], preferred_element_type=jnp.float32)
        + b_ref[...]
    )


@jax.jit
def _tc_linear(x, w_t, b2d):
    block = 2048
    grid = (BATCH // block,)
    return pl.pallas_call(
        _linear_body,
        grid=grid,
        in_specs=[
            pl.BlockSpec((block, EMB_DIM), lambda i: (i, 0)),
            pl.BlockSpec((EMB_DIM, NUM_CLASS), lambda i: (0, 0)),
            pl.BlockSpec((1, NUM_CLASS), lambda i: (0, 0)),
        ],
        out_specs=pl.BlockSpec((block, NUM_CLASS), lambda i: (i, 0)),
        out_shape=jax.ShapeDtypeStruct((BATCH, NUM_CLASS), jnp.float32),
    )(x, w_t, b2d)


def kernel(node, emb, fc_w, fc_b):
    idx3d = node.astype(jnp.int32).reshape(NUM_WORKERS, N_GROUPS, LANES)
    gathered = _sc_gather(emb, idx3d).reshape(BATCH, EMB_DIM)
    return _tc_linear(gathered, fc_w.T, fc_b.reshape(1, NUM_CLASS))

# --- scband reference (transcript-rebuilt; emitter-appended) ---
"""Pipeline reference for scband-node-classification-7696581394501 (READ-ONLY COPY).

The authoritative reference and input builder live on the scoring server;
editing this copy changes nothing except your own understanding.
"""

import jax, jax.numpy as jnp
import numpy as np

VOCAB = 1000000
EMB_DIM = 64
NUM_CLASS = 38
BATCH = 16384

def setup_inputs(seed: int = 0) -> dict:
    key = jax.random.key(seed)
    k1, k2, k3, k4 = jax.random.split(key, 4)
    node = jax.random.randint(k1, (BATCH,), 0, VOCAB, dtype=jnp.int64) if jax.config.jax_enable_x64 else jax.random.randint(k1, (BATCH,), 0, VOCAB, dtype=jnp.int32)
    emb = jax.random.normal(k2, (VOCAB, EMB_DIM), dtype=jnp.float32)
    # nn.Linear(EMB_DIM, NUM_CLASS): weight [NUM_CLASS, EMB_DIM], bias [NUM_CLASS]
    bound = 1.0 / np.sqrt(EMB_DIM)
    fc_w = jax.random.uniform(k3, (NUM_CLASS, EMB_DIM), dtype=jnp.float32, minval=-bound, maxval=bound)
    fc_b = jax.random.uniform(k4, (NUM_CLASS,), dtype=jnp.float32, minval=-bound, maxval=bound)
    return {"node": node, "emb": emb, "fc_w": fc_w, "fc_b": fc_b}

def reference(node, emb, fc_w, fc_b):
    node_emb = jnp.take(emb, node, axis=0)          # gather: [B, EMB_DIM]
    prob = node_emb @ fc_w.T + fc_b                 # linear: [B, NUM_CLASS]
    return prob

if __name__ == "__main__":
    import jax
    _d = setup_inputs()
    print(jax.jit(kernel)(*tuple(_d.values())))

</pallas_src>

<mosaic_0001>
#map = affine_map<(d0, d1) -> (0, 0)>
#map1 = affine_map<(d0, d1) -> (0, 0, 0)>
module attributes {stable_mosaic.version = 14 : i64} {
  func.func @_gather_body(%arg0: i32, %arg1: i32, %arg2: memref<1000000x64xf32, #tpu.memory_space<hbm>>, %arg3: memref<32x32x16xi32, #tpu.memory_space<hbm>>, %arg4: memref<32x512x64xf32, #tpu.memory_space<hbm>>, %arg5: memref<32x16xi32, #tpu.memory_space<vmem>>, %arg6: memref<512x64xf32, #tpu.memory_space<vmem>>, %arg7: memref<!tpu.dma_semaphore, #tpu.memory_space<semaphore_mem>>) attributes {dimension_semantics = [#tpu.dimension_semantics<core_parallel>, #tpu.dimension_semantics<subcore_parallel>], iteration_bounds = array<i64: 2, 16>, scalar_prefetch = 0 : i64, scratch_operands = 3 : i64, tpu.core_type = #tpu.core_type<sc_vector_subcore>, window_params = [{transform_indices = #map}, {transform_indices = #map1}, {transform_indices = #map1}]} {
    %mul3A = arith.constant 2 : i32
    %mul3A_0 = arith.muli %arg1, %mul3A : i32
    %add3A = arith.addi %mul3A_0, %arg0 : i32
    "tpu.region"() ({
      %run_scoped3A = tpu.sem_alloc : memref<!tpu.dma_semaphore, #tpu.memory_space<semaphore_mem>>
      %dma_start3A = arith.constant 0 : i32
      %dma_start3A_14 = arith.constant 0 : i32
      %dma_start3A_15 = tpu.memref_slice %arg3[%add3A, %dma_start3A, %dma_start3A_14] : memref<32x32x16xi32, #tpu.memory_space<hbm>> -> memref<1x32x16xi32, #tpu.memory_space<hbm>>
      %dma_start3A_16 = tpu.memref_squeeze %dma_start3A_15 : memref<1x32x16xi32, #tpu.memory_space<hbm>> -> memref<32x16xi32, #tpu.memory_space<hbm>>
      %dma_start3A_17 = arith.constant 0 : i32
      %dma_start3A_18 = arith.constant 0 : i32
      %dma_start3A_19 = tpu.memref_slice %arg3[%add3A, %dma_start3A_17, %dma_start3A_18] : memref<32x32x16xi32, #tpu.memory_space<hbm>> -> memref<1x32x16xi32, #tpu.memory_space<hbm>>
      %dma_start3A_20 = tpu.memref_squeeze %dma_start3A_19 : memref<1x32x16xi32, #tpu.memory_space<hbm>> -> memref<32x16xi32, #tpu.memory_space<hbm>>
      tpu.enqueue_dma source(%dma_start3A_20 : memref<32x16xi32, #tpu.memory_space<hbm>>) target(%arg5 : memref<32x16xi32, #tpu.memory_space<vmem>>) target_semaphore(%run_scoped3A : memref<!tpu.dma_semaphore, #tpu.memory_space<semaphore_mem>>)
      %dma_wait3A = arith.constant 0 : i32
      %dma_wait3A_21 = arith.constant 0 : i32
      %dma_wait3A_22 = tpu.memref_slice %arg3[%add3A, %dma_wait3A, %dma_wait3A_21] : memref<32x32x16xi32, #tpu.memory_space<hbm>> -> memref<1x32x16xi32, #tpu.memory_space<hbm>>
      %dma_wait3A_23 = tpu.memref_squeeze %dma_wait3A_22 : memref<1x32x16xi32, #tpu.memory_space<hbm>> -> memref<32x16xi32, #tpu.memory_space<hbm>>
      %dma_wait3A_24 = arith.constant 0 : i32
      %dma_wait3A_25 = arith.constant 0 : i32
      %dma_wait3A_26 = tpu.memref_slice %arg3[%add3A, %dma_wait3A_24, %dma_wait3A_25] : memref<32x32x16xi32, #tpu.memory_space<hbm>> -> memref<1x32x16xi32, #tpu.memory_space<hbm>>
      %dma_wait3A_27 = tpu.memref_squeeze %dma_wait3A_26 : memref<1x32x16xi32, #tpu.memory_space<hbm>> -> memref<32x16xi32, #tpu.memory_space<hbm>>
      tpu.wait_dma2 semaphore(%run_scoped3A : memref<!tpu.dma_semaphore, #tpu.memory_space<semaphore_mem>>) src(%dma_wait3A_27 : memref<32x16xi32, #tpu.memory_space<hbm>>) dst(%arg5 : memref<32x16xi32, #tpu.memory_space<vmem>>)
      tpu.yield
    }) : () -> ()
    %iota3A = tpu.iota {dimensions = array<i32: 0>} : vector<16xi32>
    %scan3A = arith.constant 0 : i32
    %scan3A_1 = arith.constant 0 : i32
    %scan3A_2 = arith.constant 32 : i32
    %scan3A_3 = arith.addi %scan3A_1, %scan3A_2 : i32
    %scan3A_4 = arith.constant 1 : i32
    %scan3A_5 = scf.for %scan3A_14 = %scan3A_1 to %scan3A_3 step %scan3A_4 iter_args(%scan3A_15 = %scan3A) -> (i32)  : i32 {
      %get3A = arith.index_cast %scan3A_14 : i32 to index
      %get3A_16 = arith.constant 0 : index
      %get3A_17 = tpu.vector_load %arg5[%get3A, %get3A_16] {strides = array<i32>} : memref<32x16xi32, #tpu.memory_space<vmem>>, vector<16xi32>,
      %eq3A = arith.constant 0 : i32
      %eq3A_18 = vector.broadcast %eq3A : i32 to vector<16xi32>
      %eq3A_19 = arith.cmpi eq, %iota3A, %eq3A_18 : vector<16xi32>
      %jit3A = arith.constant 0 : i32
      %broadcast_in_dim3A = vector.broadcast %jit3A : i32 to vector<16xi32>
      %select_n3A = arith.select %eq3A_19, %get3A_17, %broadcast_in_dim3A : vector<16xi1>, vector<16xi32>
      %reduce_sum3A = arith.constant true
      %reduce_sum3A_20 = vector.broadcast %reduce_sum3A : i1 to vector<16xi1>
      %reduce_sum3A_21 = tpu.scan <sum>, %select_n3A masked %reduce_sum3A_20 : vector<16xi32>, vector<16xi1> -> vector<16xi32>
      %reduce_sum3A_22 = vector.extract %reduce_sum3A_21[15] : i32 from vector<16xi32>
      %mul3A_23 = arith.constant 16 : i32
      %mul3A_24 = arith.muli %scan3A_14, %mul3A_23 : i32
      %add3A_25 = arith.constant 0 : i32
      %add3A_26 = arith.addi %mul3A_24, %add3A_25 : i32
      %dma_start3A = arith.constant 0 : i32
      %dma_start3A_27 = tpu.memref_slice %arg6[%add3A_26, %dma_start3A] : memref<512x64xf32, #tpu.memory_space<vmem>> -> memref<1x64xf32, #tpu.memory_space<vmem>>
      %dma_start3A_28 = tpu.memref_squeeze %dma_start3A_27 : memref<1x64xf32, #tpu.memory_space<vmem>> -> memref<64xf32, #tpu.memory_space<vmem>>
      %dma_start3A_29 = arith.constant 0 : i32
      %dma_start3A_30 = tpu.memref_slice %arg2[%reduce_sum3A_22, %dma_start3A_29] : memref<1000000x64xf32, #tpu.memory_space<hbm>> -> memref<1x64xf32, #tpu.memory_space<hbm>>
      %dma_start3A_31 = tpu.memref_squeeze %dma_start3A_30 : memref<1x64xf32, #tpu.memory_space<hbm>> -> memref<64xf32, #tpu.memory_space<hbm>>
      %dma_start3A_32 = arith.constant 0 : i32
      %dma_start3A_33 = tpu.memref_slice %arg6[%add3A_26, %dma_start3A_32] : memref<512x64xf32, #tpu.memory_space<vmem>> -> memref<1x64xf32, #tpu.memory_space<vmem>>
      %dma_start3A_34 = tpu.memref_squeeze %dma_start3A_33 : memref<1x64xf32, #tpu.memory_space<vmem>> -> memref<64xf32, #tpu.memory_space<vmem>>
      %dma_start3A_35 = arith.constant 0 : i32
      %dma_start3A_36 = tpu.memref_slice %arg2[%reduce_sum3A_22, %dma_start3A_35] : memref<1000000x64xf32, #tpu.memory_space<hbm>> -> memref<1x64xf32, #tpu.memory_space<hbm>>
      %dma_start3A_37 = tpu.memref_squeeze %dma_start3A_36 : memref<1x64xf32, #tpu.memory_space<hbm>> -> memref<64xf32, #tpu.memory_space<hbm>>
      tpu.enqueue_dma source(%dma_start3A_37 : memref<64xf32, #tpu.memory_space<hbm>>) target(%dma_start3A_34 : memref<64xf32, #tpu.memory_space<vmem>>) target_semaphore(%arg7 : memref<!tpu.dma_semaphore, #tpu.memory_space<semaphore_mem>>)
      %dma_start3A_38 = arith.constant 0 : i32
      %dma_start3A_39 = tpu.memref_slice %arg6[%add3A_26, %dma_start3A_38] : memref<512x64xf32, #tpu.memory_space<vmem>> -> memref<1x64xf32, #tpu.memory_space<vmem>>
      %dma_start3A_40 = tpu.memref_squeeze %dma_start3A_39 : memref<1x64xf32, #tpu.memory_space<vmem>> -> memref<64xf32, #tpu.memory_space<vmem>>
      %dma_start3A_41 = arith.constant 0 : i32
      %dma_start3A_42 = tpu.memref_slice %arg2[%reduce_sum3A_22, %dma_start3A_41] : memref<1000000x64xf32, #tpu.memory_space<hbm>> -> memref<1x64xf32, #tpu.memory_space<hbm>>
      %dma_start3A_43 = tpu.memref_squeeze %dma_start3A_42 : memref<1x64xf32, #tpu.memory_space<hbm>> -> memref<64xf32, #tpu.memory_space<hbm>>
      %dma_start3A_44 = arith.constant 0 : i32
      %dma_start3A_45 = tpu.memref_slice %arg6[%add3A_26, %dma_start3A_44] : memref<512x64xf32, #tpu.memory_space<vmem>> -> memref<1x64xf32, #tpu.memory_space<vmem>>
      %dma_start3A_46 = tpu.memref_squeeze %dma_start3A_45 : memref<1x64xf32, #tpu.memory_space<vmem>> -> memref<64xf32, #tpu.memory_space<vmem>>
      %dma_start3A_47 = arith.constant 0 : i32
      %dma_start3A_48 = tpu.memref_slice %arg2[%reduce_sum3A_22, %dma_start3A_47] : memref<1000000x64xf32, #tpu.memory_space<hbm>> -> memref<1x64xf32, #tpu.memory_space<hbm>>
      %dma_start3A_49 = tpu.memref_squeeze %dma_start3A_48 : memref<1x64xf32, #tpu.memory_space<hbm>> -> memref<64xf32, #tpu.memory_space<hbm>>
      tpu.enqueue_dma source(%dma_start3A_49 : memref<64xf32, #tpu.memory_space<hbm>>) target(%dma_start3A_46 : memref<64xf32, #tpu.memory_space<vmem>>) target_semaphore(%arg7 : memref<!tpu.dma_semaphore, #tpu.memory_space<semaphore_mem>>)
      %eq3A_50 = arith.constant 1 : i32
      %eq3A_51 = vector.broadcast %eq3A_50 : i32 to vector<16xi32>
      %eq3A_52 = arith.cmpi eq, %iota3A, %eq3A_51 : vector<16xi32>
      %jit3A_53 = arith.constant 0 : i32
      %broadcast_in_dim3A_54 = vector.broadcast %jit3A_53 : i32 to vector<16xi32>
      %select_n3A_55 = arith.select %eq3A_52, %get3A_17, %broadcast_in_dim3A_54 : vector<16xi1>, vector<16xi32>
      %reduce_sum3A_56 = arith.constant true
      %reduce_sum3A_57 = vector.broadcast %reduce_sum3A_56 : i1 to vector<16xi1>
      %reduce_sum3A_58 = tpu.scan <sum>, %select_n3A_55 masked %reduce_sum3A_57 : vector<16xi32>, vector<16xi1> -> vector<16xi32>
      %reduce_sum3A_59 = vector.extract %reduce_sum3A_58[15] : i32 from vector<16xi32>
      %mul3A_60 = arith.constant 16 : i32
      %mul3A_61 = arith.muli %scan3A_14, %mul3A_60 : i32
      %add3A_62 = arith.constant 1 : i32
      %add3A_63 = arith.addi %mul3A_61, %add3A_62 : i32
      %dma_start3A_64 = arith.constant 0 : i32
      %dma_start3A_65 = tpu.memref_slice %arg6[%add3A_63, %dma_start3A_64] : memref<512x64xf32, #tpu.memory_space<vmem>> -> memref<1x64xf32, #tpu.memory_space<vmem>>
      %dma_start3A_66 = tpu.memref_squeeze %dma_start3A_65 : memref<1x64xf32, #tpu.memory_space<vmem>> -> memref<64xf32, #tpu.memory_space<vmem>>
      %dma_start3A_67 = arith.constant 0 : i32
      %dma_start3A_68 = tpu.memref_slice %arg2[%reduce_sum3A_59, %dma_start3A_67] : memref<1000000x64xf32, #tpu.memory_space<hbm>> -> memref<1x64xf32, #tpu.memory_space<hbm>>
      %dma_start3A_69 = tpu.memref_squeeze %dma_start3A_68 : memref<1x64xf32, #tpu.memory_space<hbm>> -> memref<64xf32, #tpu.memory_space<hbm>>
      %dma_start3A_70 = arith.constant 0 : i32
      %dma_start3A_71 = tpu.memref_slice %arg6[%add3A_63, %dma_start3A_70] : memref<512x64xf32, #tpu.memory_space<vmem>> -> memref<1x64xf32, #tpu.memory_space<vmem>>
      %dma_start3A_72 = tpu.memref_squeeze %dma_start3A_71 : memref<1x64xf32, #tpu.memory_space<vmem>> -> memref<64xf32, #tpu.memory_space<vmem>>
      %dma_start3A_73 = arith.constant 0 : i32
      %dma_start3A_74 = tpu.memref_slice %arg2[%reduce_sum3A_59, %dma_start3A_73] : memref<1000000x64xf32, #tpu.memory_space<hbm>> -> memref<1x64xf32, #tpu.memory_space<hbm>>
      %dma_start3A_75 = tpu.memref_squeeze %dma_start3A_74 : memref<1x64xf32, #tpu.memory_space<hbm>> -> memref<64xf32, #tpu.memory_space<hbm>>
      tpu.enqueue_dma source(%dma_start3A_75 : memref<64xf32, #tpu.memory_space<hbm>>) target(%dma_start3A_72 : memref<64xf32, #tpu.memory_space<vmem>>) target_semaphore(%arg7 : memref<!tpu.dma_semaphore, #tpu.memory_space<semaphore_mem>>)
      %dma_start3A_76 = arith.constant 0 : i32
      %dma_start3A_77 = tpu.memref_slice %arg6[%add3A_63, %dma_start3A_76] : memref<512x64xf32, #tpu.memory_space<vmem>> -> memref<1x64xf32, #tpu.memory_space<vmem>>
      %dma_start3A_78 = tpu.memref_squeeze %dma_start3A_77 : memref<1x64xf32, #tpu.memory_space<vmem>> -> memref<64xf32, #tpu.memory_space<vmem>>
      %dma_start3A_79 = arith.constant 0 : i32
      %dma_start3A_80 = tpu.memref_slice %arg2[%reduce_sum3A_59, %dma_start3A_79] : memref<1000000x64xf32, #tpu.memory_space<hbm>> -> memref<1x64xf32, #tpu.memory_space<hbm>>
      %dma_start3A_81 = tpu.memref_squeeze %dma_start3A_80 : memref<1x64xf32, #tpu.memory_space<hbm>> -> memref<64xf32, #tpu.memory_space<hbm>>
      %dma_start3A_82 = arith.constant 0 : i32
      %dma_start3A_83 = tpu.memref_slice %arg6[%add3A_63, %dma_start3A_82] : memref<512x64xf32, #tpu.memory_space<vmem>> -> memref<1x64xf32, #tpu.memory_space<vmem>>
      %dma_start3A_84 = tpu.memref_squeeze %dma_start3A_83 : memref<1x64xf32, #tpu.memory_space<vmem>> -> memref<64xf32, #tpu.memory_space<vmem>>
      %dma_start3A_85 = arith.constant 0 : i32
      %dma_start3A_86 = tpu.memref_slice %arg2[%reduce_sum3A_59, %dma_start3A_85] : memref<1000000x64xf32, #tpu.memory_space<hbm>> -> memref<1x64xf32, #tpu.memory_space<hbm>>
      %dma_start3A_87 = tpu.memref_squeeze %dma_start3A_86 : memref<1x64xf32, #tpu.memory_space<hbm>> -> memref<64xf32, #tpu.memory_space<hbm>>
      tpu.enqueue_dma source(%dma_start3A_87 : memref<64xf32, #tpu.memory_space<hbm>>) target(%dma_start3A_84 : memref<64xf32, #tpu.memory_space<vmem>>) target_semaphore(%arg7 : memref<!tpu.dma_semaphore, #tpu.memory_space<semaphore_mem>>)
      %eq3A_88 = arith.constant 2 : i32
      %eq3A_89 = vector.broadcast %eq3A_88 : i32 to vector<16xi32>
      %eq3A_90 = arith.cmpi eq, %iota3A, %eq3A_89 : vector<16xi32>
      %jit3A_91 = arith.constant 0 : i32
      %broadcast_in_dim3A_92 = vector.broadcast %jit3A_91 : i32 to vector<16xi32>
      %select_n3A_93 = arith.select %eq3A_90, %get3A_17, %broadcast_in_dim3A_92 : vector<16xi1>, vector<16xi32>
      %reduce_sum3A_94 = arith.constant true
      %reduce_sum3A_95 = vector.broadcast %reduce_sum3A_94 : i1 to vector<16xi1>
      %reduce_sum3A_96 = tpu.scan <sum>, %select_n3A_93 masked %reduce_sum3A_95 : vector<16xi32>, vector<16xi1> -> vector<16xi32>
      %reduce_sum3A_97 = vector.extract %reduce_sum3A_96[15] : i32 from vector<16xi32>
      %mul3A_98 = arith.constant 16 : i32
      %mul3A_99 = arith.muli %scan3A_14, %mul3A_98 : i32
      %add3A_100 = arith.constant 2 : i32
      %add3A_101 = arith.addi %mul3A_99, %add3A_100 : i32
      %dma_start3A_102 = arith.constant 0 : i32
      %dma_start3A_103 = tpu.memref_slice %arg6[%add3A_101, %dma_start3A_102] : memref<512x64xf32, #tpu.memory_space<vmem>> -> memref<1x64xf32, #tpu.memory_space<vmem>>
      %dma_start3A_104 = tpu.memref_squeeze %dma_start3A_103 : memref<1x64xf32, #tpu.memory_space<vmem>> -> memref<64xf32, #tpu.memory_space<vmem>>
      %dma_start3A_105 = arith.constant 0 : i32
      %dma_start3A_106 = tpu.memref_slice %arg2[%reduce_sum3A_97, %dma_start3A_105] : memref<1000000x64xf32, #tpu.memory_space<hbm>> -> memref<1x64xf32, #tpu.memory_space<hbm>>
      %dma_start3A_107 = tpu.memref_squeeze %dma_start3A_106 : memref<1x64xf32, #tpu.memory_space<hbm>> -> memref<64xf32, #tpu.memory_space<hbm>>
      %dma_start3A_108 = arith.constant 0 : i32
      %dma_start3A_109 = tpu.memref_slice %arg6[%add3A_101, %dma_start3A_108] : memref<512x64xf32, #tpu.memory_space<vmem>> -> memref<1x64xf32, #tpu.memory_space<vmem>>
      %dma_start3A_110 = tpu.memref_squeeze %dma_start3A_109 : memref<1x64xf32, #tpu.memory_space<vmem>> -> memref<64xf32, #tpu.memory_space<vmem>>
      %dma_start3A_111 = arith.constant 0 : i32
      %dma_start3A_112 = tpu.memref_slice %arg2[%reduce_sum3A_97, %dma_start3A_111] : memref<1000000x64xf32, #tpu.memory_space<hbm>> -> memref<1x64xf32, #tpu.memory_space<hbm>>
      %dma_start3A_113 = tpu.memref_squeeze %dma_start3A_112 : memref<1x64xf32, #tpu.memory_space<hbm>> -> memref<64xf32, #tpu.memory_space<hbm>>
      tpu.enqueue_dma source(%dma_start3A_113 : memref<64xf32, #tpu.memory_space<hbm>>) target(%dma_start3A_110 : memref<64xf32, #tpu.memory_space<vmem>>) target_semaphore(%arg7 : memref<!tpu.dma_semaphore, #tpu.memory_space<semaphore_mem>>)
      %dma_start3A_114 = arith.constant 0 : i32
      %dma_start3A_115 = tpu.memref_slice %arg6[%add3A_101, %dma_start3A_114] : memref<512x64xf32, #tpu.memory_space<vmem>> -> memref<1x64xf32, #tpu.memory_space<vmem>>
      %dma_start3A_116 = tpu.memref_squeeze %dma_start3A_115 : memref<1x64xf32, #tpu.memory_space<vmem>> -> memref<64xf32, #tpu.memory_space<vmem>>
      %dma_start3A_117 = arith.constant 0 : i32
      %dma_start3A_118 = tpu.memref_slice %arg2[%reduce_sum3A_97, %dma_start3A_117] : memref<1000000x64xf32, #tpu.memory_space<hbm>> -> memref<1x64xf32, #tpu.memory_space<hbm>>
      %dma_start3A_119 = tpu.memref_squeeze %dma_start3A_118 : memref<1x64xf32, #tpu.memory_space<hbm>> -> memref<64xf32, #tpu.memory_space<hbm>>
      %dma_start3A_120 = arith.constant 0 : i32
      %dma_start3A_121 = tpu.memref_slice %arg6[%add3A_101, %dma_start3A_120] : memref<512x64xf32, #tpu.memory_space<vmem>> -> memref<1x64xf32, #tpu.memory_space<vmem>>
      %dma_start3A_122 = tpu.memref_squeeze %dma_start3A_121 : memref<1x64xf32, #tpu.memory_space<vmem>> -> memref<64xf32, #tpu.memory_space<vmem>>
      %dma_start3A_123 = arith.constant 0 : i32
      %dma_start3A_124 = tpu.memref_slice %arg2[%reduce_sum3A_97, %dma_start3A_123] : memref<1000000x64xf32, #tpu.memory_space<hbm>> -> memref<1x64xf32, #tpu.memory_space<hbm>>
      %dma_start3A_125 = tpu.memref_squeeze %dma_start3A_124 : memref<1x64xf32, #tpu.memory_space<hbm>> -> memref<64xf32, #tpu.memory_space<hbm>>
      tpu.enqueue_dma source(%dma_start3A_125 : memref<64xf32, #tpu.memory_space<hbm>>) target(%dma_start3A_122 : memref<64xf32, #tpu.memory_space<vmem>>) target_semaphore(%arg7 : memref<!tpu.dma_semaphore, #tpu.memory_space<semaphore_mem>>)
      %eq3A_126 = arith.constant 3 : i32
      %eq3A_127 = vector.broadcast %eq3A_126 : i32 to vector<16xi32>
      %eq3A_128 = arith.cmpi eq, %iota3A, %eq3A_127 : vector<16xi32>
      %jit3A_129 = arith.constant 0 : i32
      %broadcast_in_dim3A_130 = vector.broadcast %jit3A_129 : i32 to vector<16xi32>
      %select_n3A_131 = arith.select %eq3A_128, %get3A_17, %broadcast_in_dim3A_130 : vector<16xi1>, vector<16xi32>
      %reduce_sum3A_132 = arith.constant true
      %reduce_sum3A_133 = vector.broadcast %reduce_sum3A_132 : i1 to vector<16xi1>
      %reduce_sum3A_134 = tpu.scan <sum>, %select_n3A_131 masked %reduce_sum3A_133 : vector<16xi32>, vector<16xi1> -> vector<16xi32>
      %reduce_sum3A_135 = vector.extract %reduce_sum3A_134[15] : i32 from vector<16xi32>
      %mul3A_136 = arith.constant 16 : i32
      %mul3A_137 = arith.muli %scan3A_14, %mul3A_136 : i32
      %add3A_138 = arith.constant 3 : i32
      %add3A_139 = arith.addi %mul3A_137, %add3A_138 : i32
      %dma_start3A_140 = arith.constant 0 : i32
      %dma_start3A_141 = tpu.memref_slice %arg6[%add3A_139, %dma_start3A_140] : memref<512x64xf32, #tpu.memory_space<vmem>> -> memref<1x64xf32, #tpu.memory_space<vmem>>
      %dma_start3A_142 = tpu.memref_squeeze %dma_start3A_141 : memref<1x64xf32, #tpu.memory_space<vmem>> -> memref<64xf32, #tpu.memory_space<vmem>>
      %dma_start3A_143 = arith.constant 0 : i32
      %dma_start3A_144 = tpu.memref_slice %arg2[%reduce_sum3A_135, %dma_start3A_143] : memref<1000000x64xf32, #tpu.memory_space<hbm>> -> memref<1x64xf32, #tpu.memory_space<hbm>>
      %dma_start3A_145 = tpu.memref_squeeze %dma_start3A_144 : memref<1x64xf32, #tpu.memory_space<hbm>> -> memref<64xf32, #tpu.memory_space<hbm>>
      %dma_start3A_146 = arith.constant 0 : i32
      %dma_start3A_147 = tpu.memref_slice %arg6[%add3A_139, %dma_start3A_146] : memref<512x64xf32, #tpu.memory_space<vmem>> -> memref<1x64xf32, #tpu.memory_space<vmem>>
      %dma_start3A_148 = tpu.memref_squeeze %dma_start3A_147 : memref<1x64xf32, #tpu.memory_space<vmem>> -> memref<64xf32, #tpu.memory_space<vmem>>
      %dma_start3A_149 = arith.constant 0 : i32
      %dma_start3A_150 = tpu.memref_slice %arg2[%reduce_sum3A_135, %dma_start3A_149] : memref<1000000x64xf32, #tpu.memory_space<hbm>> -> memref<1x64xf32, #tpu.memory_space<hbm>>
      %dma_start3A_151 = tpu.memref_squeeze %dma_start3A_150 : memref<1x64xf32, #tpu.memory_space<hbm>> -> memref<64xf32, #tpu.memory_space<hbm>>
      tpu.enqueue_dma source(%dma_start3A_151 : memref<64xf32, #tpu.memory_space<hbm>>) target(%dma_start3A_148 : memref<64xf32, #tpu.memory_space<vmem>>) target_semaphore(%arg7 : memref<!tpu.dma_semaphore, #tpu.memory_space<semaphore_mem>>)
      %dma_start3A_152 = arith.constant 0 : i32
      %dma_start3A_153 = tpu.memref_slice %arg6[%add3A_139, %dma_start3A_152] : memref<512x64xf32, #tpu.memory_space<vmem>> -> memref<1x64xf32, #tpu.memory_space<vmem>>
      %dma_start3A_154 = tpu.memref_squeeze %dma_start3A_153 : memref<1x64xf32, #tpu.memory_space<vmem>> -> memref<64xf32, #tpu.memory_space<vmem>>
      %dma_start3A_155 = arith.constant 0 : i32
      %dma_start3A_156 = tpu.memref_slice %arg2[%reduce_sum3A_135, %dma_start3A_155] : memref<1000000x64xf32, #tpu.memory_space<hbm>> -> memref<1x64xf32, #tpu.memory_space<hbm>>
      %dma_start3A_157 = tpu.memref_squeeze %dma_start3A_156 : memref<1x64xf32, #tpu.memory_space<hbm>> -> memref<64xf32, #tpu.memory_space<hbm>>
      %dma_start3A_158 = arith.constant 0 : i32
      %dma_start3A_159 = tpu.memref_slice %arg6[%add3A_139, %dma_start3A_158] : memref<512x64xf32, #tpu.memory_space<vmem>> -> memref<1x64xf32, #tpu.memory_space<vmem>>
      %dma_start3A_160 = tpu.memref_squeeze %dma_start3A_159 : memref<1x64xf32, #tpu.memory_space<vmem>> -> memref<64xf32, #tpu.memory_space<vmem>>
      %dma_start3A_161 = arith.constant 0 : i32
      %dma_start3A_162 = tpu.memref_slice %arg2[%reduce_sum3A_135, %dma_start3A_161] : memref<1000000x64xf32, #tpu.memory_space<hbm>> -> memref<1x64xf32, #tpu.memory_space<hbm>>
      %dma_start3A_163 = tpu.memref_squeeze %dma_start3A_162 : memref<1x64xf32, #tpu.memory_space<hbm>> -> memref<64xf32, #tpu.memory_space<hbm>>
      tpu.enqueue_dma source(%dma_start3A_163 : memref<64xf32, #tpu.memory_space<hbm>>) target(%dma_start3A_160 : memref<64xf32, #tpu.memory_space<vmem>>) target_semaphore(%arg7 : memref<!tpu.dma_semaphore, #tpu.memory_space<semaphore_mem>>)
      %eq3A_164 = arith.constant 4 : i32
      %eq3A_165 = vector.broadcast %eq3A_164 : i32 to vector<16xi32>
      %eq3A_166 = arith.cmpi eq, %iota3A, %eq3A_165 : vector<16xi32>
      %jit3A_167 = arith.constant 0 : i32
      %broadcast_in_dim3A_168 = vector.broadcast %jit3A_167 : i32 to vector<16xi32>
      %select_n3A_169 = arith.select %eq3A_166, %get3A_17, %broadcast_in_dim3A_168 : vector<16xi1>, vector<16xi32>
      %reduce_sum3A_170 = arith.constant true
      %reduce_sum3A_171 = vector.broadcast %reduce_sum3A_170 : i1 to vector<16xi1>
      %reduce_sum3A_172 = tpu.scan <sum>, %select_n3A_169 masked %reduce_sum3A_171 : vector<16xi32>, vector<16xi1> -> vector<16xi32>
      %reduce_sum3A_173 = vector.extract %reduce_sum3A_172[15] : i32 from vector<16xi32>
      %mul3A_174 = arith.constant 16 : i32
      %mul3A_175 = arith.muli %scan3A_14, %mul3A_174 : i32
      %add3A_176 = arith.constant 4 : i32
      %add3A_177 = arith.addi %mul3A_175, %add3A_176 : i32
      %dma_start3A_178 = arith.constant 0 : i32
      %dma_start3A_179 = tpu.memref_slice %arg6[%add3A_177, %dma_start3A_178] : memref<512x64xf32, #tpu.memory_space<vmem>> -> memref<1x64xf32, #tpu.memory_space<vmem>>
      %dma_start3A_180 = tpu.memref_squeeze %dma_start3A_179 : memref<1x64xf32, #tpu.memory_space<vmem>> -> memref<64xf32, #tpu.memory_space<vmem>>
      %dma_start3A_181 = arith.constant 0 : i32
      %dma_start3A_182 = tpu.memref_slice %arg2[%reduce_sum3A_173, %dma_start3A_181] : memref<1000000x64xf32, #tpu.memory_space<hbm>> -> memref<1x64xf32, #tpu.memory_space<hbm>>
      %dma_start3A_183 = tpu.memref_squeeze %dma_start3A_182 : memref<1x64xf32, #tpu.memory_space<hbm>> -> memref<64xf32, #tpu.memory_space<hbm>>
      %dma_start3A_184 = arith.constant 0 : i32
      %dma_start3A_185 = tpu.memref_slice %arg6[%add3A_177, %dma_start3A_184] : memref<512x64xf32, #tpu.memory_space<vmem>> -> memref<1x64xf32, #tpu.memory_space<vmem>>
      %dma_start3A_186 = tpu.memref_squeeze %dma_start3A_185 : memref<1x64xf32, #tpu.memory_space<vmem>> -> memref<64xf32, #tpu.memory_space<vmem>>
      %dma_start3A_187 = arith.constant 0 : i32
      %dma_start3A_188 = tpu.memref_slice %arg2[%reduce_sum3A_173, %dma_start3A_187] : memref<1000000x64xf32, #tpu.memory_space<hbm>> -> memref<1x64xf32, #tpu.memory_space<hbm>>
      %dma_start3A_189 = tpu.memref_squeeze %dma_start3A_188 : memref<1x64xf32, #tpu.memory_space<hbm>> -> memref<64xf32, #tpu.memory_space<hbm>>
      tpu.enqueue_dma source(%dma_start3A_189 : memref<64xf32, #tpu.memory_space<hbm>>) target(%dma_start3A_186 : memref<64xf32, #tpu.memory_space<vmem>>) target_semaphore(%arg7 : memref<!tpu.dma_semaphore, #tpu.memory_space<semaphore_mem>>)
      %dma_start3A_190 = arith.constant 0 : i32
      %dma_start3A_191 = tpu.memref_slice %arg6[%add3A_177, %dma_start3A_190] : memref<512x64xf32, #tpu.memory_space<vmem>> -> memref<1x64xf32, #tpu.memory_space<vmem>>
      %dma_start3A_192 = tpu.memref_squeeze %dma_start3A_191 : memref<1x64xf32, #tpu.memory_space<vmem>> -> memref<64xf32, #tpu.memory_space<vmem>>
      %dma_start3A_193 = arith.constant 0 : i32
      %dma_start3A_194 = tpu.memref_slice %arg2[%reduce_sum3A_173, %dma_start3A_193] : memref<1000000x64xf32, #tpu.memory_space<hbm>> -> memref<1x64xf32, #tpu.memory_space<hbm>>
      %dma_start3A_195 = tpu.memref_squeeze %dma_start3A_194 : memref<1x64xf32, #tpu.memory_space<hbm>> -> memref<64xf32, #tpu.memory_space<hbm>>
      %dma_start3A_196 = arith.constant 0 : i32
      %dma_start3A_197 = tpu.memref_slice %arg6[%add3A_177, %dma_start3A_196] : memref<512x64xf32, #tpu.memory_space<vmem>> -> memref<1x64xf32, #tpu.memory_space<vmem>>
      %dma_start3A_198 = tpu.memref_squeeze %dma_start3A_197 : memref<1x64xf32, #tpu.memory_space<vmem>> -> memref<64xf32, #tpu.memory_space<vmem>>
      %dma_start3A_199 = arith.constant 0 : i32
      %dma_start3A_200 = tpu.memref_slice %arg2[%reduce_sum3A_173, %dma_start3A_199] : memref<1000000x64xf32, #tpu.memory_space<hbm>> -> memref<1x64xf32, #tpu.memory_space<hbm>>
      %dma_start3A_201 = tpu.memref_squeeze %dma_start3A_200 : memref<1x64xf32, #tpu.memory_space<hbm>> -> memref<64xf32, #tpu.memory_space<hbm>>
      tpu.enqueue_dma source(%dma_start3A_201 : memref<64xf32, #tpu.memory_space<hbm>>) target(%dma_start3A_198 : memref<64xf32, #tpu.memory_space<vmem>>) target_semaphore(%arg7 : memref<!tpu.dma_semaphore, #tpu.memory_space<semaphore_mem>>)
      %eq3A_202 = arith.constant 5 : i32
      %eq3A_203 = vector.broadcast %eq3A_202 : i32 to vector<16xi32>
      %eq3A_204 = arith.cmpi eq, %iota3A, %eq3A_203 : vector<16xi32>
      %jit3A_205 = arith.constant 0 : i32
      %broadcast_in_dim3A_206 = vector.broadcast %jit3A_205 : i32 to vector<16xi32>
      %select_n3A_207 = arith.select %eq3A_204, %get3A_17, %broadcast_in_dim3A_206 : vector<16xi1>, vector<16xi32>
      %reduce_sum3A_208 = arith.constant true
      %reduce_sum3A_209 = vector.broadcast %reduce_sum3A_208 : i1 to vector<16xi1>
      %reduce_sum3A_210 = tpu.scan <sum>, %select_n3A_207 masked %reduce_sum3A_209 : vector<16xi32>, vector<16xi1> -> vector<16xi32>
      %reduce_sum3A_211 = vector.extract %reduce_sum3A_210[15] : i32 from vector<16xi32>
      %mul3A_212 = arith.constant 16 : i32
      %mul3A_213 = arith.muli %scan3A_14, %mul3A_212 : i32
      %add3A_214 = arith.constant 5 : i32
      %add3A_215 = arith.addi %mul3A_213, %add3A_214 : i32
      %dma_start3A_216 = arith.constant 0 : i32
      %dma_start3A_217 = tpu.memref_slice %arg6[%add3A_215, %dma_start3A_216] : memref<512x64xf32, #tpu.memory_space<vmem>> -> memref<1x64xf32, #tpu.memory_space<vmem>>
      %dma_start3A_218 = tpu.memref_squeeze %dma_start3A_217 : memref<1x64xf32, #tpu.memory_space<vmem>> -> memref<64xf32, #tpu.memory_space<vmem>>
      %dma_start3A_219 = arith.constant 0 : i32
      %dma_start3A_220 = tpu.memref_slice %arg2[%reduce_sum3A_211, %dma_start3A_219] : memref<1000000x64xf32, #tpu.memory_space<hbm>> -> memref<1x64xf32, #tpu.memory_space<hbm>>
      %dma_start3A_221 = tpu.memref_squeeze %dma_start3A_220 : memref<1x64xf32, #tpu.memory_space<hbm>> -> memref<64xf32, #tpu.memory_space<hbm>>
      %dma_start3A_222 = arith.constant 0 : i32
      %dma_start3A_223 = tpu.memref_slice %arg6[%add3A_215, %dma_start3A_222] : memref<512x64xf32, #tpu.memory_space<vmem>> -> memref<1x64xf32, #tpu.memory_space<vmem>>
      %dma_start3A_224 = tpu.memref_squeeze %dma_start3A_223 : memref<1x64xf32, #tpu.memory_space<vmem>> -> memref<64xf32, #tpu.memory_space<vmem>>
      %dma_start3A_225 = arith.constant 0 : i32
      %dma_start3A_226 = tpu.memref_slice %arg2[%reduce_sum3A_211, %dma_start3A_225] : memref<1000000x64xf32, #tpu.memory_space<hbm>> -> memref<1x64xf32, #tpu.memory_space<hbm>>
      %dma_start3A_227 = tpu.memref_squeeze %dma_start3A_226 : memref<1x64xf32, #tpu.memory_space<hbm>> -> memref<64xf32, #tpu.memory_space<hbm>>
      tpu.enqueue_dma source(%dma_start3A_227 : memref<64xf32, #tpu.memory_space<hbm>>) target(%dma_start3A_224 : memref<64xf32, #tpu.memory_space<vmem>>) target_semaphore(%arg7 : memref<!tpu.dma_semaphore, #tpu.memory_space<semaphore_mem>>)
      %dma_start3A_228 = arith.constant 0 : i32
      %dma_start3A_229 = tpu.memref_slice %arg6[%add3A_215, %dma_start3A_228] : memref<512x64xf32, #tpu.memory_space<vmem>> -> memref<1x64xf32, #tpu.memory_space<vmem>>
      %dma_start3A_230 = tpu.memref_squeeze %dma_start3A_229 : memref<1x64xf32, #tpu.memory_space<vmem>> -> memref<64xf32, #tpu.memory_space<vmem>>
      %dma_start3A_231 = arith.constant 0 : i32
      %dma_start3A_232 = tpu.memref_slice %arg2[%reduce_sum3A_211, %dma_start3A_231] : memref<1000000x64xf32, #tpu.memory_space<hbm>> -> memref<1x64xf32, #tpu.memory_space<hbm>>
      %dma_start3A_233 = tpu.memref_squeeze %dma_start3A_232 : memref<1x64xf32, #tpu.memory_space<hbm>> -> memref<64xf32, #tpu.memory_space<hbm>>
      %dma_start3A_234 = arith.constant 0 : i32
      %dma_start3A_235 = tpu.memref_slice %arg6[%add3A_215, %dma_start3A_234] : memref<512x64xf32, #tpu.memory_space<vmem>> -> memref<1x64xf32, #tpu.memory_space<vmem>>
      %dma_start3A_236 = tpu.memref_squeeze %dma_start3A_235 : memref<1x64xf32, #tpu.memory_space<vmem>> -> memref<64xf32, #tpu.memory_space<vmem>>
      %dma_start3A_237 = arith.constant 0 : i32
      %dma_start3A_238 = tpu.memref_slice %arg2[%reduce_sum3A_211, %dma_start3A_237] : memref<1000000x64xf32, #tpu.memory_space<hbm>> -> memref<1x64xf32, #tpu.memory_space<hbm>>
      %dma_start3A_239 = tpu.memref_squeeze %dma_start3A_238 : memref<1x64xf32, #tpu.memory_space<hbm>> -> memref<64xf32, #tpu.memory_space<hbm>>
      tpu.enqueue_dma source(%dma_start3A_239 : memref<64xf32, #tpu.memory_space<hbm>>) target(%dma_start3A_236 : memref<64xf32, #tpu.memory_space<vmem>>) target_semaphore(%arg7 : memref<!tpu.dma_semaphore, #tpu.memory_space<semaphore_mem>>)
      %eq3A_240 = arith.constant 6 : i32
      %eq3A_241 = vector.broadcast %eq3A_240 : i32 to vector<16xi32>
      %eq3A_242 = arith.cmpi eq, %iota3A, %eq3A_241 : vector<16xi32>
      %jit3A_243 = arith.constant 0 : i32
      %broadcast_in_dim3A_244 = vector.broadcast %jit3A_243 : i32 to vector<16xi32>
      %select_n3A_245 = arith.select %eq3A_242, %get3A_17, %broadcast_in_dim3A_244 : vector<16xi1>, vector<16xi32>
      %reduce_sum3A_246 = arith.constant true
      %reduce_sum3A_247 = vector.broadcast %reduce_sum3A_246 : i1 to vector<16xi1>
      %reduce_sum3A_248 = tpu.scan <sum>, %select_n3A_245 masked %reduce_sum3A_247 : vector<16xi32>, vector<16xi1> -> vector<16xi32>
      %reduce_sum3A_249 = vector.extract %reduce_sum3A_248[15] : i32 from vector<16xi32>
      %mul3A_250 = arith.constant 16 : i32
      %mul3A_251 = arith.muli %scan3A_14, %mul3A_250 : i32
      %add3A_252 = arith.constant 6 : i32
      %add3A_253 = arith.addi %mul3A_251, %add3A_252 : i32
      %dma_start3A_254 = arith.constant 0 : i32
      %dma_start3A_255 = tpu.memref_slice %arg6[%add3A_253, %dma_start3A_254] : memref<512x64xf32, #tpu.memory_space<vmem>> -> memref<1x64xf32, #tpu.memory_space<vmem>>
      %dma_start3A_256 = tpu.memref_squeeze %dma_start3A_255 : memref<1x64xf32, #tpu.memory_space<vmem>> -> memref<64xf32, #tpu.memory_space<vmem>>
      %dma_start3A_257 = arith.constant 0 : i32
      %dma_start3A_258 = tpu.memref_slice %arg2[%reduce_sum3A_249, %dma_start3A_257] : memref<1000000x64xf32, #tpu.memory_space<hbm>> -> memref<1x64xf32, #tpu.memory_space<hbm>>
      %dma_start3A_259 = tpu.memref_squeeze %dma_start3A_258 : memref<1x64xf32, #tpu.memory_space<hbm>> -> memref<64xf32, #tpu.memory_space<hbm>>
      %dma_start3A_260 = arith.constant 0 : i32
      %dma_start3A_261 = tpu.memref_slice %arg6[%add3A_253, %dma_start3A_260] : memref<512x64xf32, #tpu.memory_space<vmem>> -> memref<1x64xf32, #tpu.memory_space<vmem>>
      %dma_start3A_262 = tpu.memref_squeeze %dma_start3A_261 : memref<1x64xf32, #tpu.memory_space<vmem>> -> memref<64xf32, #tpu.memory_space<vmem>>
      %dma_start3A_263 = arith.constant 0 : i32
      %dma_start3A_264 = tpu.memref_slice %arg2[%reduce_sum3A_249, %dma_start3A_263] : memref<1000000x64xf32, #tpu.memory_space<hbm>> -> memref<1x64xf32, #tpu.memory_space<hbm>>
      %dma_start3A_265 = tpu.memref_squeeze %dma_start3A_264 : memref<1x64xf32, #tpu.memory_space<hbm>> -> memref<64xf32, #tpu.memory_space<hbm>>
      tpu.enqueue_dma source(%dma_start3A_265 : memref<64xf32, #tpu.memory_space<hbm>>) target(%dma_start3A_262 : memref<64xf32, #tpu.memory_space<vmem>>) target_semaphore(%arg7 : memref<!tpu.dma_semaphore, #tpu.memory_space<semaphore_mem>>)
      %dma_start3A_266 = arith.constant 0 : i32
      %dma_start3A_267 = tpu.memref_slice %arg6[%add3A_253, %dma_start3A_266] : memref<512x64xf32, #tpu.memory_space<vmem>> -> memref<1x64xf32, #tpu.memory_space<vmem>>
      %dma_start3A_268 = tpu.memref_squeeze %dma_start3A_267 : memref<1x64xf32, #tpu.memory_space<vmem>> -> memref<64xf32, #tpu.memory_space<vmem>>
      %dma_start3A_269 = arith.constant 0 : i32
      %dma_start3A_270 = tpu.memref_slice %arg2[%reduce_sum3A_249, %dma_start3A_269] : memref<1000000x64xf32, #tpu.memory_space<hbm>> -> memref<1x64xf32, #tpu.memory_space<hbm>>
      %dma_start3A_271 = tpu.memref_squeeze %dma_start3A_270 : memref<1x64xf32, #tpu.memory_space<hbm>> -> memref<64xf32, #tpu.memory_space<hbm>>
      %dma_start3A_272 = arith.constant 0 : i32
      %dma_start3A_273 = tpu.memref_slice %arg6[%add3A_253, %dma_start3A_272] : memref<512x64xf32, #tpu.memory_space<vmem>> -> memref<1x64xf32, #tpu.memory_space<vmem>>
      %dma_start3A_274 = tpu.memref_squeeze %dma_start3A_273 : memref<1x64xf32, #tpu.memory_space<vmem>> -> memref<64xf32, #tpu.memory_space<vmem>>
      %dma_start3A_275 = arith.constant 0 : i32
      %dma_start3A_276 = tpu.memref_slice %arg2[%reduce_sum3A_249, %dma_start3A_275] : memref<1000000x64xf32, #tpu.memory_space<hbm>> -> memref<1x64xf32, #tpu.memory_space<hbm>>
      %dma_start3A_277 = tpu.memref_squeeze %dma_start3A_276 : memref<1x64xf32, #tpu.memory_space<hbm>> -> memref<64xf32, #tpu.memory_space<hbm>>
      tpu.enqueue_dma source(%dma_start3A_277 : memref<64xf32, #tpu.memory_space<hbm>>) target(%dma_start3A_274 : memref<64xf32, #tpu.memory_space<vmem>>) target_semaphore(%arg7 : memref<!tpu.dma_semaphore, #tpu.memory_space<semaphore_mem>>)
      %eq3A_278 = arith.constant 7 : i32
      %eq3A_279 = vector.broadcast %eq3A_278 : i32 to vector<16xi32>
      %eq3A_280 = arith.cmpi eq, %iota3A, %eq3A_279 : vector<16xi32>
      %jit3A_281 = arith.constant 0 : i32
      %broadcast_in_dim3A_282 = vector.broadcast %jit3A_281 : i32 to vector<16xi32>
      %select_n3A_283 = arith.select %eq3A_280, %get3A_17, %broadcast_in_dim3A_282 : vector<16xi1>, vector<16xi32>
      %reduce_sum3A_284 = arith.constant true
      %reduce_sum3A_285 = vector.broadcast %reduce_sum3A_284 : i1 to vector<16xi1>
      %reduce_sum3A_286 = tpu.scan <sum>, %select_n3A_283 masked %reduce_sum3A_285 : vector<16xi32>, vector<16xi1> -> vector<16xi32>
      %reduce_sum3A_287 = vector.extract %reduce_sum3A_286[15] : i32 from vector<16xi32>
      %mul3A_288 = arith.constant 16 : i32
      %mul3A_289 = arith.muli %scan3A_14, %mul3A_288 : i32
      %add3A_290 = arith.constant 7 : i32
      %add3A_291 = arith.addi %mul3A_289, %add3A_290 : i32
      %dma_start3A_292 = arith.constant 0 : i32
      %dma_start3A_293 = tpu.memref_slice %arg6[%add3A_291, %dma_start3A_292] : memref<512x64xf32, #tpu.memory_space<vmem>> -> memref<1x64xf32, #tpu.memory_space<vmem>>
      %dma_start3A_294 = tpu.memref_squeeze %dma_start3A_293 : memref<1x64xf32, #tpu.memory_space<vmem>> -> memref<64xf32, #tpu.memory_space<vmem>>
      %dma_start3A_295 = arith.constant 0 : i32
      %dma_start3A_296 = tpu.memref_slice %arg2[%reduce_sum3A_287, %dma_start3A_295] : memref<1000000x64xf32, #tpu.memory_space<hbm>> -> memref<1x64xf32, #tpu.memory_space<hbm>>
      %dma_start3A_297 = tpu.memref_squeeze %dma_start3A_296 : memref<1x64xf32, #tpu.memory_space<hbm>> -> memref<64xf32, #tpu.memory_space<hbm>>
      %dma_start3A_298 = arith.constant 0 : i32
      %dma_start3A_299 = tpu.memref_slice %arg6[%add3A_291, %dma_start3A_298] : memref<512x64xf32, #tpu.memory_space<vmem>> -> memref<1x64xf32, #tpu.memory_space<vmem>>
      %dma_start3A_300 = tpu.memref_squeeze %dma_start3A_299 : memref<1x64xf32, #tpu.memory_space<vmem>> -> memref<64xf32, #tpu.memory_space<vmem>>
      %dma_start3A_301 = arith.constant 0 : i32
      %dma_start3A_302 = tpu.memref_slice %arg2[%reduce_sum3A_287, %dma_start3A_301] : memref<1000000x64xf32, #tpu.memory_space<hbm>> -> memref<1x64xf32, #tpu.memory_space<hbm>>
      %dma_start3A_303 = tpu.memref_squeeze %dma_start3A_302 : memref<1x64xf32, #tpu.memory_space<hbm>> -> memref<64xf32, #tpu.memory_space<hbm>>
      tpu.enqueue_dma source(%dma_start3A_303 : memref<64xf32, #tpu.memory_space<hbm>>) target(%dma_start3A_300 : memref<64xf32, #tpu.memory_space<vmem>>) target_semaphore(%arg7 : memref<!tpu.dma_semaphore, #tpu.memory_space<semaphore_mem>>)
      %dma_start3A_304 = arith.constant 0 : i32
      %dma_start3A_305 = tpu.memref_slice %arg6[%add3A_291, %dma_start3A_304] : memref<512x64xf32, #tpu.memory_space<vmem>> -> memref<1x64xf32, #tpu.memory_space<vmem>>
      %dma_start3A_306 = tpu.memref_squeeze %dma_start3A_305 : memref<1x64xf32, #tpu.memory_space<vmem>> -> memref<64xf32, #tpu.memory_space<vmem>>
      %dma_start3A_307 = arith.constant 0 : i32
      %dma_start3A_308 = tpu.memref_slice %arg2[%reduce_sum3A_287, %dma_start3A_307] : memref<1000000x64xf32, #tpu.memory_space<hbm>> -> memref<1x64xf32, #tpu.memory_space<hbm>>
      %dma_start3A_309 = tpu.memref_squeeze %dma_start3A_308 : memref<1x64xf32, #tpu.memory_space<hbm>> -> memref<64xf32, #tpu.memory_space<hbm>>
      %dma_start3A_310 = arith.constant 0 : i32
      %dma_start3A_311 = tpu.memref_slice %arg6[%add3A_291, %dma_start3A_310] : memref<512x64xf32, #tpu.memory_space<vmem>> -> memref<1x64xf32, #tpu.memory_space<vmem>>
      %dma_start3A_312 = tpu.memref_squeeze %dma_start3A_311 : memref<1x64xf32, #tpu.memory_space<vmem>> -> memref<64xf32, #tpu.memory_space<vmem>>
      %dma_start3A_313 = arith.constant 0 : i32
      %dma_start3A_314 = tpu.memref_slice %arg2[%reduce_sum3A_287, %dma_start3A_313] : memref<1000000x64xf32, #tpu.memory_space<hbm>> -> memref<1x64xf32, #tpu.memory_space<hbm>>
      %dma_start3A_315 = tpu.memref_squeeze %dma_start3A_314 : memref<1x64xf32, #tpu.memory_space<hbm>> -> memref<64xf32, #tpu.memory_space<hbm>>
      tpu.enqueue_dma source(%dma_start3A_315 : memref<64xf32, #tpu.memory_space<hbm>>) target(%dma_start3A_312 : memref<64xf32, #tpu.memory_space<vmem>>) target_semaphore(%arg7 : memref<!tpu.dma_semaphore, #tpu.memory_space<semaphore_mem>>)
      %eq3A_316 = arith.constant 8 : i32
      %eq3A_317 = vector.broadcast %eq3A_316 : i32 to vector<16xi32>
      %eq3A_318 = arith.cmpi eq, %iota3A, %eq3A_317 : vector<16xi32>
      %jit3A_319 = arith.constant 0 : i32
      %broadcast_in_dim3A_320 = vector.broadcast %jit3A_319 : i32 to vector<16xi32>
      %select_n3A_321 = arith.select %eq3A_318, %get3A_17, %broadcast_in_dim3A_320 : vector<16xi1>, vector<16xi32>
      %reduce_sum3A_322 = arith.constant true
      %reduce_sum3A_323 = vector.broadcast %reduce_sum3A_322 : i1 to vector<16xi1>
      %reduce_sum3A_324 = tpu.scan <sum>, %select_n3A_321 masked %reduce_sum3A_323 : vector<16xi32>, vector<16xi1> -> vector<16xi32>
      %reduce_sum3A_325 = vector.extract %reduce_sum3A_324[15] : i32 from vector<16xi32>
      %mul3A_326 = arith.constant 16 : i32
      %mul3A_327 = arith.muli %scan3A_14, %mul3A_326 : i32
      %add3A_328 = arith.constant 8 : i32
      %add3A_329 = arith.addi %mul3A_327, %add3A_328 : i32
      %dma_start3A_330 = arith.constant 0 : i32
      %dma_start3A_331 = tpu.memref_slice %arg6[%add3A_329, %dma_start3A_330] : memref<512x64xf32, #tpu.memory_space<vmem>> -> memref<1x64xf32, #tpu.memory_space<vmem>>
      %dma_start3A_332 = tpu.memref_squeeze %dma_start3A_331 : memref<1x64xf32, #tpu.memory_space<vmem>> -> memref<64xf32, #tpu.memory_space<vmem>>
      %dma_start3A_333 = arith.constant 0 : i32
      %dma_start3A_334 = tpu.memref_slice %arg2[%reduce_sum3A_325, %dma_start3A_333] : memref<1000000x64xf32, #tpu.memory_space<hbm>> -> memref<1x64xf32, #tpu.memory_space<hbm>>
      %dma_start3A_335 = tpu.memref_squeeze %dma_start3A_334 : memref<1x64xf32, #tpu.memory_space<hbm>> -> memref<64xf32, #tpu.memory_space<hbm>>
      %dma_start3A_336 = arith.constant 0 : i32
      %dma_start3A_337 = tpu.memref_slice %arg6[%add3A_329, %dma_start3A_336] : memref<512x64xf32, #tpu.memory_space<vmem>> -> memref<1x64xf32, #tpu.memory_space<vmem>>
      %dma_start3A_338 = tpu.memref_squeeze %dma_start3A_337 : memref<1x64xf32, #tpu.memory_space<vmem>> -> memref<64xf32, #tpu.memory_space<vmem>>
      %dma_start3A_339 = arith.constant 0 : i32
      %dma_start3A_340 = tpu.memref_slice %arg2[%reduce_sum3A_325, %dma_start3A_339] : memref<1000000x64xf32, #tpu.memory_space<hbm>> -> memref<1x64xf32, #tpu.memory_space<hbm>>
      %dma_start3A_341 = tpu.memref_squeeze %dma_start3A_340 : memref<1x64xf32, #tpu.memory_space<hbm>> -> memref<64xf32, #tpu.memory_space<hbm>>
      tpu.enqueue_dma source(%dma_start3A_341 : memref<64xf32, #tpu.memory_space<hbm>>) target(%dma_start3A_338 : memref<64xf32, #tpu.memory_space<vmem>>) target_semaphore(%arg7 : memref<!tpu.dma_semaphore, #tpu.memory_space<semaphore_mem>>)
      %dma_start3A_342 = arith.constant 0 : i32
      %dma_start3A_343 = tpu.memref_slice %arg6[%add3A_329, %dma_start3A_342] : memref<512x64xf32, #tpu.memory_space<vmem>> -> memref<1x64xf32, #tpu.memory_space<vmem>>
      %dma_start3A_344 = tpu.memref_squeeze %dma_start3A_343 : memref<1x64xf32, #tpu.memory_space<vmem>> -> memref<64xf32, #tpu.memory_space<vmem>>
      %dma_start3A_345 = arith.constant 0 : i32
      %dma_start3A_346 = tpu.memref_slice %arg2[%reduce_sum3A_325, %dma_start3A_345] : memref<1000000x64xf32, #tpu.memory_space<hbm>> -> memref<1x64xf32, #tpu.memory_space<hbm>>
      %dma_start3A_347 = tpu.memref_squeeze %dma_start3A_346 : memref<1x64xf32, #tpu.memory_space<hbm>> -> memref<64xf32, #tpu.memory_space<hbm>>
      %dma_start3A_348 = arith.constant 0 : i32
      %dma_start3A_349 = tpu.memref_slice %arg6[%add3A_329, %dma_start3A_348] : memref<512x64xf32, #tpu.memory_space<vmem>> -> memref<1x64xf32, #tpu.memory_space<vmem>>
      %dma_start3A_350 = tpu.memref_squeeze %dma_start3A_349 : memref<1x64xf32, #tpu.memory_space<vmem>> -> memref<64xf32, #tpu.memory_space<vmem>>
      %dma_start3A_351 = arith.constant 0 : i32
      %dma_start3A_352 = tpu.memref_slice %arg2[%reduce_sum3A_325, %dma_start3A_351] : memref<1000000x64xf32, #tpu.memory_space<hbm>> -> memref<1x64xf32, #tpu.memory_space<hbm>>
      %dma_start3A_353 = tpu.memref_squeeze %dma_start3A_352 : memref<1x64xf32, #tpu.memory_space<hbm>> -> memref<64xf32, #tpu.memory_space<hbm>>
      tpu.enqueue_dma source(%dma_start3A_353 : memref<64xf32, #tpu.memory_space<hbm>>) target(%dma_start3A_350 : memref<64xf32, #tpu.memory_space<vmem>>) target_semaphore(%arg7 : memref<!tpu.dma_semaphore, #tpu.memory_space<semaphore_mem>>)
      %eq3A_354 = arith.constant 9 : i32
      %eq3A_355 = vector.broadcast %eq3A_354 : i32 to vector<16xi32>
      %eq3A_356 = arith.cmpi eq, %iota3A, %eq3A_355 : vector<16xi32>
      %jit3A_357 = arith.constant 0 : i32
      %broadcast_in_dim3A_358 = vector.broadcast %jit3A_357 : i32 to vector<16xi32>
      %select_n3A_359 = arith.select %eq3A_356, %get3A_17, %broadcast_in_dim3A_358 : vector<16xi1>, vector<16xi32>
      %reduce_sum3A_360 = arith.constant true
      %reduce_sum3A_361 = vector.broadcast %reduce_sum3A_360 : i1 to vector<16xi1>
      %reduce_sum3A_362 = tpu.scan <sum>, %select_n3A_359 masked %reduce_sum3A_361 : vector<16xi32>, vector<16xi1> -> vector<16xi32>
      %reduce_sum3A_363 = vector.extract %reduce_sum3A_362[15] : i32 from vector<16xi32>
      %mul3A_364 = arith.constant 16 : i32
      %mul3A_365 = arith.muli %scan3A_14, %mul3A_364 : i32
      %add3A_366 = arith.constant 9 : i32
      %add3A_367 = arith.addi %mul3A_365, %add3A_366 : i32
      %dma_start3A_368 = arith.constant 0 : i32
      %dma_start3A_369 = tpu.memref_slice %arg6[%add3A_367, %dma_start3A_368] : memref<512x64xf32, #tpu.memory_space<vmem>> -> memref<1x64xf32, #tpu.memory_space<vmem>>
      %dma_start3A_370 = tpu.memref_squeeze %dma_start3A_369 : memref<1x64xf32, #tpu.memory_space<vmem>> -> memref<64xf32, #tpu.memory_space<vmem>>
      %dma_start3A_371 = arith.constant 0 : i32
      %dma_start3A_372 = tpu.memref_slice %arg2[%reduce_sum3A_363, %dma_start3A_371] : memref<1000000x64xf32, #tpu.memory_space<hbm>> -> memref<1x64xf32, #tpu.memory_space<hbm>>
      %dma_start3A_373 = tpu.memref_squeeze %dma_start3A_372 : memref<1x64xf32, #tpu.memory_space<hbm>> -> memref<64xf32, #tpu.memory_space<hbm>>
      %dma_start3A_374 = arith.constant 0 : i32
      %dma_start3A_375 = tpu.memref_slice %arg6[%add3A_367, %dma_start3A_374] : memref<512x64xf32, #tpu.memory_space<vmem>> -> memref<1x64xf32, #tpu.memory_space<vmem>>
      %dma_start3A_376 = tpu.memref_squeeze %dma_start3A_375 : memref<1x64xf32, #tpu.memory_space<vmem>> -> memref<64xf32, #tpu.memory_space<vmem>>
      %dma_start3A_377 = arith.constant 0 : i32
      %dma_start3A_378 = tpu.memref_slice %arg2[%reduce_sum3A_363, %dma_start3A_377] : memref<1000000x64xf32, #tpu.memory_space<hbm>> -> memref<1x64xf32, #tpu.memory_space<hbm>>
      %dma_start3A_379 = tpu.memref_squeeze %dma_start3A_378 : memref<1x64xf32, #tpu.memory_space<hbm>> -> memref<64xf32, #tpu.memory_space<hbm>>
      tpu.enqueue_dma source(%dma_start3A_379 : memref<64xf32, #tpu.memory_space<hbm>>) target(%dma_start3A_376 : memref<64xf32, #tpu.memory_space<vmem>>) target_semaphore(%arg7 : memref<!tpu.dma_semaphore, #tpu.memory_space<semaphore_mem>>)
      %dma_start3A_380 = arith.constant 0 : i32
      %dma_start3A_381 = tpu.memref_slice %arg6[%add3A_367, %dma_start3A_380] : memref<512x64xf32, #tpu.memory_space<vmem>> -> memref<1x64xf32, #tpu.memory_space<vmem>>
      %dma_start3A_382 = tpu.memref_squeeze %dma_start3A_381 : memref<1x64xf32, #tpu.memory_space<vmem>> -> memref<64xf32, #tpu.memory_space<vmem>>
      %dma_start3A_383 = arith.constant 0 : i32
      %dma_start3A_384 = tpu.memref_slice %arg2[%reduce_sum3A_363, %dma_start3A_383] : memref<1000000x64xf32, #tpu.memory_space<hbm>> -> memref<1x64xf32, #tpu.memory_space<hbm>>
      %dma_start3A_385 = tpu.memref_squeeze %dma_start3A_384 : memref<1x64xf32, #tpu.memory_space<hbm>> -> memref<64xf32, #tpu.memory_space<hbm>>
      %dma_start3A_386 = arith.constant 0 : i32
      %dma_start3A_387 = tpu.memref_slice %arg6[%add3A_367, %dma_start3A_386] : memref<512x64xf32, #tpu.memory_space<vmem>> -> memref<1x64xf32, #tpu.memory_space<vmem>>
      %dma_start3A_388 = tpu.memref_squeeze %dma_start3A_387 : memref<1x64xf32, #tpu.memory_space<vmem>> -> memref<64xf32, #tpu.memory_space<vmem>>
      %dma_start3A_389 = arith.constant 0 : i32
      %dma_start3A_390 = tpu.memref_slice %arg2[%reduce_sum3A_363, %dma_start3A_389] : memref<1000000x64xf32, #tpu.memory_space<hbm>> -> memref<1x64xf32, #tpu.memory_space<hbm>>
      %dma_start3A_391 = tpu.memref_squeeze %dma_start3A_390 : memref<1x64xf32, #tpu.memory_space<hbm>> -> memref<64xf32, #tpu.memory_space<hbm>>
      tpu.enqueue_dma source(%dma_start3A_391 : memref<64xf32, #tpu.memory_space<hbm>>) target(%dma_start3A_388 : memref<64xf32, #tpu.memory_space<vmem>>) target_semaphore(%arg7 : memref<!tpu.dma_semaphore, #tpu.memory_space<semaphore_mem>>)
      %eq3A_392 = arith.constant 10 : i32
      %eq3A_393 = vector.broadcast %eq3A_392 : i32 to vector<16xi32>
      %eq3A_394 = arith.cmpi eq, %iota3A, %eq3A_393 : vector<16xi32>
      %jit3A_395 = arith.constant 0 : i32
      %broadcast_in_dim3A_396 = vector.broadcast %jit3A_395 : i32 to vector<16xi32>
      %select_n3A_397 = arith.select %eq3A_394, %get3A_17, %broadcast_in_dim3A_396 : vector<16xi1>, vector<16xi32>
      %reduce_sum3A_398 = arith.constant true
      %reduce_sum3A_399 = vector.broadcast %reduce_sum3A_398 : i1 to vector<16xi1>
      %reduce_sum3A_400 = tpu.scan <sum>, %select_n3A_397 masked %reduce_sum3A_399 : vector<16xi32>, vector<16xi1> -> vector<16xi32>
      %reduce_sum3A_401 = vector.extract %reduce_sum3A_400[15] : i32 from vector<16xi32>
      %mul3A_402 = arith.constant 16 : i32
      %mul3A_403 = arith.muli %scan3A_14, %mul3A_402 : i32
      %add3A_404 = arith.constant 10 : i32
      %add3A_405 = arith.addi %mul3A_403, %add3A_404 : i32
      %dma_start3A_406 = arith.constant 0 : i32
      %dma_start3A_407 = tpu.memref_slice %arg6[%add3A_405, %dma_start3A_406] : memref<512x64xf32, #tpu.memory_space<vmem>> -> memref<1x64xf32, #tpu.memory_space<vmem>>
      %dma_start3A_408 = tpu.memref_squeeze %dma_start3A_407 : memref<1x64xf32, #tpu.memory_space<vmem>> -> memref<64xf32, #tpu.memory_space<vmem>>
      %dma_start3A_409 = arith.constant 0 : i32
      %dma_start3A_410 = tpu.memref_slice %arg2[%reduce_sum3A_401, %dma_start3A_409] : memref<1000000x64xf32, #tpu.memory_space<hbm>> -> memref<1x64xf32, #tpu.memory_space<hbm>>
      %dma_start3A_411 = tpu.memref_squeeze %dma_start3A_410 : memref<1x64xf32, #tpu.memory_space<hbm>> -> memref<64xf32, #tpu.memory_space<hbm>>
      %dma_start3A_412 = arith.constant 0 : i32
      %dma_start3A_413 = tpu.memref_slice %arg6[%add3A_405, %dma_start3A_412] : memref<512x64xf32, #tpu.memory_space<vmem>> -> memref<1x64xf32, #tpu.memory_space<vmem>>
      %dma_start3A_414 = tpu.memref_squeeze %dma_start3A_413 : memref<1x64xf32, #tpu.memory_space<vmem>> -> memref<64xf32, #tpu.memory_space<vmem>>
      %dma_start3A_415 = arith.constant 0 : i32
      %dma_start3A_416 = tpu.memref_slice %arg2[%reduce_sum3A_401, %dma_start3A_415] : memref<1000000x64xf32, #tpu.memory_space<hbm>> -> memref<1x64xf32, #tpu.memory_space<hbm>>
      %dma_start3A_417 = tpu.memref_squeeze %dma_start3A_416 : memref<1x64xf32, #tpu.memory_space<hbm>> -> memref<64xf32, #tpu.memory_space<hbm>>
      tpu.enqueue_dma source(%dma_start3A_417 : memref<64xf32, #tpu.memory_space<hbm>>) target(%dma_start3A_414 : memref<64xf32, #tpu.memory_space<vmem>>) target_semaphore(%arg7 : memref<!tpu.dma_semaphore, #tpu.memory_space<semaphore_mem>>)
      %dma_start3A_418 = arith.constant 0 : i32
      %dma_start3A_419 = tpu.memref_slice %arg6[%add3A_405, %dma_start3A_418] : memref<512x64xf32, #tpu.memory_space<vmem>> -> memref<1x64xf32, #tpu.memory_space<vmem>>
      %dma_start3A_420 = tpu.memref_squeeze %dma_start3A_419 : memref<1x64xf32, #tpu.memory_space<vmem>> -> memref<64xf32, #tpu.memory_space<vmem>>
      %dma_start3A_421 = arith.constant 0 : i32
      %dma_start3A_422 = tpu.memref_slice %arg2[%reduce_sum3A_401, %dma_start3A_421] : memref<1000000x64xf32, #tpu.memory_space<hbm>> -> memref<1x64xf32, #tpu.memory_space<hbm>>
      %dma_start3A_423 = tpu.memref_squeeze %dma_start3A_422 : memref<1x64xf32, #tpu.memory_space<hbm>> -> memref<64xf32, #tpu.memory_space<hbm>>
      %dma_start3A_424 = arith.constant 0 : i32
      %dma_start3A_425 = tpu.memref_slice %arg6[%add3A_405, %dma_start3A_424] : memref<512x64xf32, #tpu.memory_space<vmem>> -> memref<1x64xf32, #tpu.memory_space<vmem>>
      %dma_start3A_426 = tpu.memref_squeeze %dma_start3A_425 : memref<1x64xf32, #tpu.memory_space<vmem>> -> memref<64xf32, #tpu.memory_space<vmem>>
      %dma_start3A_427 = arith.constant 0 : i32
      %dma_start3A_428 = tpu.memref_slice %arg2[%reduce_sum3A_401, %dma_start3A_427] : memref<1000000x64xf32, #tpu.memory_space<hbm>> -> memref<1x64xf32, #tpu.memory_space<hbm>>
      %dma_start3A_429 = tpu.memref_squeeze %dma_start3A_428 : memref<1x64xf32, #tpu.memory_space<hbm>> -> memref<64xf32, #tpu.memory_space<hbm>>
      tpu.enqueue_dma source(%dma_start3A_429 : memref<64xf32, #tpu.memory_space<hbm>>) target(%dma_start3A_426 : memref<64xf32, #tpu.memory_space<vmem>>) target_semaphore(%arg7 : memref<!tpu.dma_semaphore, #tpu.memory_space<semaphore_mem>>)
      %eq3A_430 = arith.constant 11 : i32
      %eq3A_431 = vector.broadcast %eq3A_430 : i32 to vector<16xi32>
      %eq3A_432 = arith.cmpi eq, %iota3A, %eq3A_431 : vector<16xi32>
      %jit3A_433 = arith.constant 0 : i32
      %broadcast_in_dim3A_434 = vector.broadcast %jit3A_433 : i32 to vector<16xi32>
      %select_n3A_435 = arith.select %eq3A_432, %get3A_17, %broadcast_in_dim3A_434 : vector<16xi1>, vector<16xi32>
      %reduce_sum3A_436 = arith.constant true
      %reduce_sum3A_437 = vector.broadcast %reduce_sum3A_436 : i1 to vector<16xi1>
      %reduce_sum3A_438 = tpu.scan <sum>, %select_n3A_435 masked %reduce_sum3A_437 : vector<16xi32>, vector<16xi1> -> vector<16xi32>
      %reduce_sum3A_439 = vector.extract %reduce_sum3A_438[15] : i32 from vector<16xi32>
      %mul3A_440 = arith.constant 16 : i32
      %mul3A_441 = arith.muli %scan3A_14, %mul3A_440 : i32
      %add3A_442 = arith.constant 11 : i32
      %add3A_443 = arith.addi %mul3A_441, %add3A_442 : i32
      %dma_start3A_444 = arith.constant 0 : i32
      %dma_start3A_445 = tpu.memref_slice %arg6[%add3A_443, %dma_start3A_444] : memref<512x64xf32, #tpu.memory_space<vmem>> -> memref<1x64xf32, #tpu.memory_space<vmem>>
      %dma_start3A_446 = tpu.memref_squeeze %dma_start3A_445 : memref<1x64xf32, #tpu.memory_space<vmem>> -> memref<64xf32, #tpu.memory_space<vmem>>
      %dma_start3A_447 = arith.constant 0 : i32
      %dma_start3A_448 = tpu.memref_slice %arg2[%reduce_sum3A_439, %dma_start3A_447] : memref<1000000x64xf32, #tpu.memory_space<hbm>> -> memref<1x64xf32, #tpu.memory_space<hbm>>
      %dma_start3A_449 = tpu.memref_squeeze %dma_start3A_448 : memref<1x64xf32, #tpu.memory_space<hbm>> -> memref<64xf32, #tpu.memory_space<hbm>>
      %dma_start3A_450 = arith.constant 0 : i32
      %dma_start3A_451 = tpu.memref_slice %arg6[%add3A_443, %dma_start3A_450] : memref<512x64xf32, #tpu.memory_space<vmem>> -> memref<1x64xf32, #tpu.memory_space<vmem>>
      %dma_start3A_452 = tpu.memref_squeeze %dma_start3A_451 : memref<1x64xf32, #tpu.memory_space<vmem>> -> memref<64xf32, #tpu.memory_space<vmem>>
      %dma_start3A_453 = arith.constant 0 : i32
      %dma_start3A_454 = tpu.memref_slice %arg2[%reduce_sum3A_439, %dma_start3A_453] : memref<1000000x64xf32, #tpu.memory_space<hbm>> -> memref<1x64xf32, #tpu.memory_space<hbm>>
      %dma_start3A_455 = tpu.memref_squeeze %dma_start3A_454 : memref<1x64xf32, #tpu.memory_space<hbm>> -> memref<64xf32, #tpu.memory_space<hbm>>
      tpu.enqueue_dma source(%dma_start3A_455 : memref<64xf32, #tpu.memory_space<hbm>>) target(%dma_start3A_452 : memref<64xf32, #tpu.memory_space<vmem>>) target_semaphore(%arg7 : memref<!tpu.dma_semaphore, #tpu.memory_space<semaphore_mem>>)
      %dma_start3A_456 = arith.constant 0 : i32
      %dma_start3A_457 = tpu.memref_slice %arg6[%add3A_443, %dma_start3A_456] : memref<512x64xf32, #tpu.memory_space<vmem>> -> memref<1x64xf32, #tpu.memory_space<vmem>>
      %dma_start3A_458 = tpu.memref_squeeze %dma_start3A_457 : memref<1x64xf32, #tpu.memory_space<vmem>> -> memref<64xf32, #tpu.memory_space<vmem>>
      %dma_start3A_459 = arith.constant 0 : i32
      %dma_start3A_460 = tpu.memref_slice %arg2[%reduce_sum3A_439, %dma_start3A_459] : memref<1000000x64xf32, #tpu.memory_space<hbm>> -> memref<1x64xf32, #tpu.memory_space<hbm>>
      %dma_start3A_461 = tpu.memref_squeeze %dma_start3A_460 : memref<1x64xf32, #tpu.memory_space<hbm>> -> memref<64xf32, #tpu.memory_space<hbm>>
      %dma_start3A_462 = arith.constant 0 : i32
      %dma_start3A_463 = tpu.memref_slice %arg6[%add3A_443, %dma_start3A_462] : memref<512x64xf32, #tpu.memory_space<vmem>> -> memref<1x64xf32, #tpu.memory_space<vmem>>
      %dma_start3A_464 = tpu.memref_squeeze %dma_start3A_463 : memref<1x64xf32, #tpu.memory_space<vmem>> -> memref<64xf32, #tpu.memory_space<vmem>>
      %dma_start3A_465 = arith.constant 0 : i32
      %dma_start3A_466 = tpu.memref_slice %arg2[%reduce_sum3A_439, %dma_start3A_465] : memref<1000000x64xf32, #tpu.memory_space<hbm>> -> memref<1x64xf32, #tpu.memory_space<hbm>>
      %dma_start3A_467 = tpu.memref_squeeze %dma_start3A_466 : memref<1x64xf32, #tpu.memory_space<hbm>> -> memref<64xf32, #tpu.memory_space<hbm>>
      tpu.enqueue_dma source(%dma_start3A_467 : memref<64xf32, #tpu.memory_space<hbm>>) target(%dma_start3A_464 : memref<64xf32, #tpu.memory_space<vmem>>) target_semaphore(%arg7 : memref<!tpu.dma_semaphore, #tpu.memory_space<semaphore_mem>>)
      %eq3A_468 = arith.constant 12 : i32
      %eq3A_469 = vector.broadcast %eq3A_468 : i32 to vector<16xi32>
      %eq3A_470 = arith.cmpi eq, %iota3A, %eq3A_469 : vector<16xi32>
      %jit3A_471 = arith.constant 0 : i32
      %broadcast_in_dim3A_472 = vector.broadcast %jit3A_471 : i32 to vector<16xi32>
      %select_n3A_473 = arith.select %eq3A_470, %get3A_17, %broadcast_in_dim3A_472 : vector<16xi1>, vector<16xi32>
      %reduce_sum3A_474 = arith.constant true
      %reduce_sum3A_475 = vector.broadcast %reduce_sum3A_474 : i1 to vector<16xi1>
      %reduce_sum3A_476 = tpu.scan <sum>, %select_n3A_473 masked %reduce_sum3A_475 : vector<16xi32>, vector<16xi1> -> vector<16xi32>
      %reduce_sum3A_477 = vector.extract %reduce_sum3A_476[15] : i32 from vector<16xi32>
      %mul3A_478 = arith.constant 16 : i32
      %mul3A_479 = arith.muli %scan3A_14, %mul3A_478 : i32
      %add3A_480 = arith.constant 12 : i32
      %add3A_481 = arith.addi %mul3A_479, %add3A_480 : i32
      %dma_start3A_482 = arith.constant 0 : i32
      %dma_start3A_483 = tpu.memref_slice %arg6[%add3A_481, %dma_start3A_482] : memref<512x64xf32, #tpu.memory_space<vmem>> -> memref<1x64xf32, #tpu.memory_space<vmem>>
      %dma_start3A_484 = tpu.memref_squeeze %dma_start3A_483 : memref<1x64xf32, #tpu.memory_space<vmem>> -> memref<64xf32, #tpu.memory_space<vmem>>
      %dma_start3A_485 = arith.constant 0 : i32
      %dma_start3A_486 = tpu.memref_slice %arg2[%reduce_sum3A_477, %dma_start3A_485] : memref<1000000x64xf32, #tpu.memory_space<hbm>> -> memref<1x64xf32, #tpu.memory_space<hbm>>
      %dma_start3A_487 = tpu.memref_squeeze %dma_start3A_486 : memref<1x64xf32, #tpu.memory_space<hbm>> -> memref<64xf32, #tpu.memory_space<hbm>>
      %dma_start3A_488 = arith.constant 0 : i32
      %dma_start3A_489 = tpu.memref_slice %arg6[%add3A_481, %dma_start3A_488] : memref<512x64xf32, #tpu.memory_space<vmem>> -> memref<1x64xf32, #tpu.memory_space<vmem>>
      %dma_start3A_490 = tpu.memref_squeeze %dma_start3A_489 : memref<1x64xf32, #tpu.memory_space<vmem>> -> memref<64xf32, #tpu.memory_space<vmem>>
      %dma_start3A_491 = arith.constant 0 : i32
      %dma_start3A_492 = tpu.memref_slice %arg2[%reduce_sum3A_477, %dma_start3A_491] : memref<1000000x64xf32, #tpu.memory_space<hbm>> -> memref<1x64xf32, #tpu.memory_space<hbm>>
      %dma_start3A_493 = tpu.memref_squeeze %dma_start3A_492 : memref<1x64xf32, #tpu.memory_space<hbm>> -> memref<64xf32, #tpu.memory_space<hbm>>
      tpu.enqueue_dma source(%dma_start3A_493 : memref<64xf32, #tpu.memory_space<hbm>>) target(%dma_start3A_490 : memref<64xf32, #tpu.memory_space<vmem>>) target_semaphore(%arg7 : memref<!tpu.dma_semaphore, #tpu.memory_space<semaphore_mem>>)
      %dma_start3A_494 = arith.constant 0 : i32
      %dma_start3A_495 = tpu.memref_slice %arg6[%add3A_481, %dma_start3A_494] : memref<512x64xf32, #tpu.memory_space<vmem>> -> memref<1x64xf32, #tpu.memory_space<vmem>>
      %dma_start3A_496 = tpu.memref_squeeze %dma_start3A_495 : memref<1x64xf32, #tpu.memory_space<vmem>> -> memref<64xf32, #tpu.memory_space<vmem>>
      %dma_start3A_497 = arith.constant 0 : i32
      %dma_start3A_498 = tpu.memref_slice %arg2[%reduce_sum3A_477, %dma_start3A_497] : memref<1000000x64xf32, #tpu.memory_space<hbm>> -> memref<1x64xf32, #tpu.memory_space<hbm>>
      %dma_start3A_499 = tpu.memref_squeeze %dma_start3A_498 : memref<1x64xf32, #tpu.memory_space<hbm>> -> memref<64xf32, #tpu.memory_space<hbm>>
      %dma_start3A_500 = arith.constant 0 : i32
      %dma_start3A_501 = tpu.memref_slice %arg6[%add3A_481, %dma_start3A_500] : memref<512x64xf32, #tpu.memory_space<vmem>> -> memref<1x64xf32, #tpu.memory_space<vmem>>
      %dma_start3A_502 = tpu.memref_squeeze %dma_start3A_501 : memref<1x64xf32, #tpu.memory_space<vmem>> -> memref<64xf32, #tpu.memory_space<vmem>>
      %dma_start3A_503 = arith.constant 0 : i32
      %dma_start3A_504 = tpu.memref_slice %arg2[%reduce_sum3A_477, %dma_start3A_503] : memref<1000000x64xf32, #tpu.memory_space<hbm>> -> memref<1x64xf32, #tpu.memory_space<hbm>>
      %dma_start3A_505 = tpu.memref_squeeze %dma_start3A_504 : memref<1x64xf32, #tpu.memory_space<hbm>> -> memref<64xf32, #tpu.memory_space<hbm>>
      tpu.enqueue_dma source(%dma_start3A_505 : memref<64xf32, #tpu.memory_space<hbm>>) target(%dma_start3A_502 : memref<64xf32, #tpu.memory_space<vmem>>) target_semaphore(%arg7 : memref<!tpu.dma_semaphore, #tpu.memory_space<semaphore_mem>>)
      %eq3A_506 = arith.constant 13 : i32
      %eq3A_507 = vector.broadcast %eq3A_506 : i32 to vector<16xi32>
      %eq3A_508 = arith.cmpi eq, %iota3A, %eq3A_507 : vector<16xi32>
      %jit3A_509 = arith.constant 0 : i32
      %broadcast_in_dim3A_510 = vector.broadcast %jit3A_509 : i32 to vector<16xi32>
      %select_n3A_511 = arith.select %eq3A_508, %get3A_17, %broadcast_in_dim3A_510 : vector<16xi1>, vector<16xi32>
      %reduce_sum3A_512 = arith.constant true
      %reduce_sum3A_513 = vector.broadcast %reduce_sum3A_512 : i1 to vector<16xi1>
      %reduce_sum3A_514 = tpu.scan <sum>, %select_n3A_511 masked %reduce_sum3A_513 : vector<16xi32>, vector<16xi1> -> vector<16xi32>
      %reduce_sum3A_515 = vector.extract %reduce_sum3A_514[15] : i32 from vector<16xi32>
      %mul3A_516 = arith.constant 16 : i32
      %mul3A_517 = arith.muli %scan3A_14, %mul3A_516 : i32
      %add3A_518 = arith.constant 13 : i32
      %add3A_519 = arith.addi %mul3A_517, %add3A_518 : i32
      %dma_start3A_520 = arith.constant 0 : i32
      %dma_start3A_521 = tpu.memref_slice %arg6[%add3A_519, %dma_start3A_520] : memref<512x64xf32, #tpu.memory_space<vmem>> -> memref<1x64xf32, #tpu.memory_space<vmem>>
      %dma_start3A_522 = tpu.memref_squeeze %dma_start3A_521 : memref<1x64xf32, #tpu.memory_space<vmem>> -> memref<64xf32, #tpu.memory_space<vmem>>
      %dma_start3A_523 = arith.constant 0 : i32
      %dma_start3A_524 = tpu.memref_slice %arg2[%reduce_sum3A_515, %dma_start3A_523] : memref<1000000x64xf32, #tpu.memory_space<hbm>> -> memref<1x64xf32, #tpu.memory_space<hbm>>
      %dma_start3A_525 = tpu.memref_squeeze %dma_start3A_524 : memref<1x64xf32, #tpu.memory_space<hbm>> -> memref<64xf32, #tpu.memory_space<hbm>>
      %dma_start3A_526 = arith.constant 0 : i32
      %dma_start3A_527 = tpu.memref_slice %arg6[%add3A_519, %dma_start3A_526] : memref<512x64xf32, #tpu.memory_space<vmem>> -> memref<1x64xf32, #tpu.memory_space<vmem>>
      %dma_start3A_528 = tpu.memref_squeeze %dma_start3A_527 : memref<1x64xf32, #tpu.memory_space<vmem>> -> memref<64xf32, #tpu.memory_space<vmem>>
      %dma_start3A_529 = arith.constant 0 : i32
      %dma_start3A_530 = tpu.memref_slice %arg2[%reduce_sum3A_515, %dma_start3A_529] : memref<1000000x64xf32, #tpu.memory_space<hbm>> -> memref<1x64xf32, #tpu.memory_space<hbm>>
      %dma_start3A_531 = tpu.memref_squeeze %dma_start3A_530 : memref<1x64xf32, #tpu.memory_space<hbm>> -> memref<64xf32, #tpu.memory_space<hbm>>
      tpu.enqueue_dma source(%dma_start3A_531 : memref<64xf32, #tpu.memory_space<hbm>>) target(%dma_start3A_528 : memref<64xf32, #tpu.memory_space<vmem>>) target_semaphore(%arg7 : memref<!tpu.dma_semaphore, #tpu.memory_space<semaphore_mem>>)
      %dma_start3A_532 = arith.constant 0 : i32
      %dma_start3A_533 = tpu.memref_slice %arg6[%add3A_519, %dma_start3A_532] : memref<512x64xf32, #tpu.memory_space<vmem>> -> memref<1x64xf32, #tpu.memory_space<vmem>>
      %dma_start3A_534 = tpu.memref_squeeze %dma_start3A_533 : memref<1x64xf32, #tpu.memory_space<vmem>> -> memref<64xf32, #tpu.memory_space<vmem>>
      %dma_start3A_535 = arith.constant 0 : i32
      %dma_start3A_536 = tpu.memref_slice %arg2[%reduce_sum3A_515, %dma_start3A_535] : memref<1000000x64xf32, #tpu.memory_space<hbm>> -> memref<1x64xf32, #tpu.memory_space<hbm>>
      %dma_start3A_537 = tpu.memref_squeeze %dma_start3A_536 : memref<1x64xf32, #tpu.memory_space<hbm>> -> memref<64xf32, #tpu.memory_space<hbm>>
      %dma_start3A_538 = arith.constant 0 : i32
      %dma_start3A_539 = tpu.memref_slice %arg6[%add3A_519, %dma_start3A_538] : memref<512x64xf32, #tpu.memory_space<vmem>> -> memref<1x64xf32, #tpu.memory_space<vmem>>
      %dma_start3A_540 = tpu.memref_squeeze %dma_start3A_539 : memref<1x64xf32, #tpu.memory_space<vmem>> -> memref<64xf32, #tpu.memory_space<vmem>>
      %dma_start3A_541 = arith.constant 0 : i32
      %dma_start3A_542 = tpu.memref_slice %arg2[%reduce_sum3A_515, %dma_start3A_541] : memref<1000000x64xf32, #tpu.memory_space<hbm>> -> memref<1x64xf32, #tpu.memory_space<hbm>>
      %dma_start3A_543 = tpu.memref_squeeze %dma_start3A_542 : memref<1x64xf32, #tpu.memory_space<hbm>> -> memref<64xf32, #tpu.memory_space<hbm>>
      tpu.enqueue_dma source(%dma_start3A_543 : memref<64xf32, #tpu.memory_space<hbm>>) target(%dma_start3A_540 : memref<64xf32, #tpu.memory_space<vmem>>) target_semaphore(%arg7 : memref<!tpu.dma_semaphore, #tpu.memory_space<semaphore_mem>>)
      %eq3A_544 = arith.constant 14 : i32
      %eq3A_545 = vector.broadcast %eq3A_544 : i32 to vector<16xi32>
      %eq3A_546 = arith.cmpi eq, %iota3A, %eq3A_545 : vector<16xi32>
      %jit3A_547 = arith.constant 0 : i32
      %broadcast_in_dim3A_548 = vector.broadcast %jit3A_547 : i32 to vector<16xi32>
      %select_n3A_549 = arith.select %eq3A_546, %get3A_17, %broadcast_in_dim3A_548 : vector<16xi1>, vector<16xi32>
      %reduce_sum3A_550 = arith.constant true
      %reduce_sum3A_551 = vector.broadcast %reduce_sum3A_550 : i1 to vector<16xi1>
      %reduce_sum3A_552 = tpu.scan <sum>, %select_n3A_549 masked %reduce_sum3A_551 : vector<16xi32>, vector<16xi1> -> vector<16xi32>
      %reduce_sum3A_553 = vector.extract %reduce_sum3A_552[15] : i32 from vector<16xi32>
      %mul3A_554 = arith.constant 16 : i32
      %mul3A_555 = arith.muli %scan3A_14, %mul3A_554 : i32
      %add3A_556 = arith.constant 14 : i32
      %add3A_557 = arith.addi %mul3A_555, %add3A_556 : i32
      %dma_start3A_558 = arith.constant 0 : i32
      %dma_start3A_559 = tpu.memref_slice %arg6[%add3A_557, %dma_start3A_558] : memref<512x64xf32, #tpu.memory_space<vmem>> -> memref<1x64xf32, #tpu.memory_space<vmem>>
      %dma_start3A_560 = tpu.memref_squeeze %dma_start3A_559 : memref<1x64xf32, #tpu.memory_space<vmem>> -> memref<64xf32, #tpu.memory_space<vmem>>
      %dma_start3A_561 = arith.constant 0 : i32
      %dma_start3A_562 = tpu.memref_slice %arg2[%reduce_sum3A_553, %dma_start3A_561] : memref<1000000x64xf32, #tpu.memory_space<hbm>> -> memref<1x64xf32, #tpu.memory_space<hbm>>
      %dma_start3A_563 = tpu.memref_squeeze %dma_start3A_562 : memref<1x64xf32, #tpu.memory_space<hbm>> -> memref<64xf32, #tpu.memory_space<hbm>>
      %dma_start3A_564 = arith.constant 0 : i32
      %dma_start3A_565 = tpu.memref_slice %arg6[%add3A_557, %dma_start3A_564] : memref<512x64xf32, #tpu.memory_space<vmem>> -> memref<1x64xf32, #tpu.memory_space<vmem>>
      %dma_start3A_566 = tpu.memref_squeeze %dma_start3A_565 : memref<1x64xf32, #tpu.memory_space<vmem>> -> memref<64xf32, #tpu.memory_space<vmem>>
      %dma_start3A_567 = arith.constant 0 : i32
      %dma_start3A_568 = tpu.memref_slice %arg2[%reduce_sum3A_553, %dma_start3A_567] : memref<1000000x64xf32, #tpu.memory_space<hbm>> -> memref<1x64xf32, #tpu.memory_space<hbm>>
      %dma_start3A_569 = tpu.memref_squeeze %dma_start3A_568 : memref<1x64xf32, #tpu.memory_space<hbm>> -> memref<64xf32, #tpu.memory_space<hbm>>
      tpu.enqueue_dma source(%dma_start3A_569 : memref<64xf32, #tpu.memory_space<hbm>>) target(%dma_start3A_566 : memref<64xf32, #tpu.memory_space<vmem>>) target_semaphore(%arg7 : memref<!tpu.dma_semaphore, #tpu.memory_space<semaphore_mem>>)
      %dma_start3A_570 = arith.constant 0 : i32
      %dma_start3A_571 = tpu.memref_slice %arg6[%add3A_557, %dma_start3A_570] : memref<512x64xf32, #tpu.memory_space<vmem>> -> memref<1x64xf32, #tpu.memory_space<vmem>>
      %dma_start3A_572 = tpu.memref_squeeze %dma_start3A_571 : memref<1x64xf32, #tpu.memory_space<vmem>> -> memref<64xf32, #tpu.memory_space<vmem>>
      %dma_start3A_573 = arith.constant 0 : i32
      %dma_start3A_574 = tpu.memref_slice %arg2[%reduce_sum3A_553, %dma_start3A_573] : memref<1000000x64xf32, #tpu.memory_space<hbm>> -> memref<1x64xf32, #tpu.memory_space<hbm>>
      %dma_start3A_575 = tpu.memref_squeeze %dma_start3A_574 : memref<1x64xf32, #tpu.memory_space<hbm>> -> memref<64xf32, #tpu.memory_space<hbm>>
      %dma_start3A_576 = arith.constant 0 : i32
      %dma_start3A_577 = tpu.memref_slice %arg6[%add3A_557, %dma_start3A_576] : memref<512x64xf32, #tpu.memory_space<vmem>> -> memref<1x64xf32, #tpu.memory_space<vmem>>
      %dma_start3A_578 = tpu.memref_squeeze %dma_start3A_577 : memref<1x64xf32, #tpu.memory_space<vmem>> -> memref<64xf32, #tpu.memory_space<vmem>>
      %dma_start3A_579 = arith.constant 0 : i32
      %dma_start3A_580 = tpu.memref_slice %arg2[%reduce_sum3A_553, %dma_start3A_579] : memref<1000000x64xf32, #tpu.memory_space<hbm>> -> memref<1x64xf32, #tpu.memory_space<hbm>>
      %dma_start3A_581 = tpu.memref_squeeze %dma_start3A_580 : memref<1x64xf32, #tpu.memory_space<hbm>> -> memref<64xf32, #tpu.memory_space<hbm>>
      tpu.enqueue_dma source(%dma_start3A_581 : memref<64xf32, #tpu.memory_space<hbm>>) target(%dma_start3A_578 : memref<64xf32, #tpu.memory_space<vmem>>) target_semaphore(%arg7 : memref<!tpu.dma_semaphore, #tpu.memory_space<semaphore_mem>>)
      %eq3A_582 = arith.constant 15 : i32
      %eq3A_583 = vector.broadcast %eq3A_582 : i32 to vector<16xi32>
      %eq3A_584 = arith.cmpi eq, %iota3A, %eq3A_583 : vector<16xi32>
      %jit3A_585 = arith.constant 0 : i32
      %broadcast_in_dim3A_586 = vector.broadcast %jit3A_585 : i32 to vector<16xi32>
      %select_n3A_587 = arith.select %eq3A_584, %get3A_17, %broadcast_in_dim3A_586 : vector<16xi1>, vector<16xi32>
      %reduce_sum3A_588 = arith.constant true
      %reduce_sum3A_589 = vector.broadcast %reduce_sum3A_588 : i1 to vector<16xi1>
      %reduce_sum3A_590 = tpu.scan <sum>, %select_n3A_587 masked %reduce_sum3A_589 : vector<16xi32>, vector<16xi1> -> vector<16xi32>
      %reduce_sum3A_591 = vector.extract %reduce_sum3A_590[15] : i32 from vector<16xi32>
      %mul3A_592 = arith.constant 16 : i32
      %mul3A_593 = arith.muli %scan3A_14, %mul3A_592 : i32
      %add3A_594 = arith.constant 15 : i32
      %add3A_595 = arith.addi %mul3A_593, %add3A_594 : i32
      %dma_start3A_596 = arith.constant 0 : i32
      %dma_start3A_597 = tpu.memref_slice %arg6[%add3A_595, %dma_start3A_596] : memref<512x64xf32, #tpu.memory_space<vmem>> -> memref<1x64xf32, #tpu.memory_space<vmem>>
      %dma_start3A_598 = tpu.memref_squeeze %dma_start3A_597 : memref<1x64xf32, #tpu.memory_space<vmem>> -> memref<64xf32, #tpu.memory_space<vmem>>
      %dma_start3A_599 = arith.constant 0 : i32
      %dma_start3A_600 = tpu.memref_slice %arg2[%reduce_sum3A_591, %dma_start3A_599] : memref<1000000x64xf32, #tpu.memory_space<hbm>> -> memref<1x64xf32, #tpu.memory_space<hbm>>
      %dma_start3A_601 = tpu.memref_squeeze %dma_start3A_600 : memref<1x64xf32, #tpu.memory_space<hbm>> -> memref<64xf32, #tpu.memory_space<hbm>>
      %dma_start3A_602 = arith.constant 0 : i32
      %dma_start3A_603 = tpu.memref_slice %arg6[%add3A_595, %dma_start3A_602] : memref<512x64xf32, #tpu.memory_space<vmem>> -> memref<1x64xf32, #tpu.memory_space<vmem>>
      %dma_start3A_604 = tpu.memref_squeeze %dma_start3A_603 : memref<1x64xf32, #tpu.memory_space<vmem>> -> memref<64xf32, #tpu.memory_space<vmem>>
      %dma_start3A_605 = arith.constant 0 : i32
      %dma_start3A_606 = tpu.memref_slice %arg2[%reduce_sum3A_591, %dma_start3A_605] : memref<1000000x64xf32, #tpu.memory_space<hbm>> -> memref<1x64xf32, #tpu.memory_space<hbm>>
      %dma_start3A_607 = tpu.memref_squeeze %dma_start3A_606 : memref<1x64xf32, #tpu.memory_space<hbm>> -> memref<64xf32, #tpu.memory_space<hbm>>
      tpu.enqueue_dma source(%dma_start3A_607 : memref<64xf32, #tpu.memory_space<hbm>>) target(%dma_start3A_604 : memref<64xf32, #tpu.memory_space<vmem>>) target_semaphore(%arg7 : memref<!tpu.dma_semaphore, #tpu.memory_space<semaphore_mem>>)
      %dma_start3A_608 = arith.constant 0 : i32
      %dma_start3A_609 = tpu.memref_slice %arg6[%add3A_595, %dma_start3A_608] : memref<512x64xf32, #tpu.memory_space<vmem>> -> memref<1x64xf32, #tpu.memory_space<vmem>>
      %dma_start3A_610 = tpu.memref_squeeze %dma_start3A_609 : memref<1x64xf32, #tpu.memory_space<vmem>> -> memref<64xf32, #tpu.memory_space<vmem>>
      %dma_start3A_611 = arith.constant 0 : i32
      %dma_start3A_612 = tpu.memref_slice %arg2[%reduce_sum3A_591, %dma_start3A_611] : memref<1000000x64xf32, #tpu.memory_space<hbm>> -> memref<1x64xf32, #tpu.memory_space<hbm>>
      %dma_start3A_613 = tpu.memref_squeeze %dma_start3A_612 : memref<1x64xf32, #tpu.memory_space<hbm>> -> memref<64xf32, #tpu.memory_space<hbm>>
      %dma_start3A_614 = arith.constant 0 : i32
      %dma_start3A_615 = tpu.memref_slice %arg6[%add3A_595, %dma_start3A_614] : memref<512x64xf32, #tpu.memory_space<vmem>> -> memref<1x64xf32, #tpu.memory_space<vmem>>
      %dma_start3A_616 = tpu.memref_squeeze %dma_start3A_615 : memref<1x64xf32, #tpu.memory_space<vmem>> -> memref<64xf32, #tpu.memory_space<vmem>>
      %dma_start3A_617 = arith.constant 0 : i32
      %dma_start3A_618 = tpu.memref_slice %arg2[%reduce_sum3A_591, %dma_start3A_617] : memref<1000000x64xf32, #tpu.memory_space<hbm>> -> memref<1x64xf32, #tpu.memory_space<hbm>>
      %dma_start3A_619 = tpu.memref_squeeze %dma_start3A_618 : memref<1x64xf32, #tpu.memory_space<hbm>> -> memref<64xf32, #tpu.memory_space<hbm>>
      tpu.enqueue_dma source(%dma_start3A_619 : memref<64xf32, #tpu.memory_space<hbm>>) target(%dma_start3A_616 : memref<64xf32, #tpu.memory_space<vmem>>) target_semaphore(%arg7 : memref<!tpu.dma_semaphore, #tpu.memory_space<semaphore_mem>>)
      %scan3A_620 = arith.constant 0 : i32
      scf.yield %scan3A_620 : i32
    }
    %scan3A_6 = arith.constant 32 : i32
    %scan3A_7 = arith.constant 0 : i32
    %scan3A_8 = arith.constant 0 : i32
    %scan3A_9 = arith.constant 512 : i32
    %scan3A_10 = arith.addi %scan3A_8, %scan3A_9 : i32
    %scan3A_11 = arith.constant 1 : i32
    %scan3A_12 = scf.for %scan3A_14 = %scan3A_8 to %scan3A_10 step %scan3A_11 iter_args(%scan3A_15 = %scan3A_7) -> (i32)  : i32 {
      %dma_wait3A = arith.constant 0 : i32
      %dma_wait3A_16 = arith.constant 0 : i32
      %dma_wait3A_17 = tpu.memref_slice %arg6[%scan3A_14, %dma_wait3A_16] : memref<512x64xf32, #tpu.memory_space<vmem>> -> memref<1x64xf32, #tpu.memory_space<vmem>>
      %dma_wait3A_18 = tpu.memref_squeeze %dma_wait3A_17 : memref<1x64xf32, #tpu.memory_space<vmem>> -> memref<64xf32, #tpu.memory_space<vmem>>
      %dma_wait3A_19 = arith.constant 0 : i32
      %dma_wait3A_20 = tpu.memref_slice %arg2[%dma_wait3A, %dma_wait3A_19] : memref<1000000x64xf32, #tpu.memory_space<hbm>> -> memref<1x64xf32, #tpu.memory_space<hbm>>
      %dma_wait3A_21 = tpu.memref_squeeze %dma_wait3A_20 : memref<1x64xf32, #tpu.memory_space<hbm>> -> memref<64xf32, #tpu.memory_space<hbm>>
      %dma_wait3A_22 = arith.constant 0 : i32
      %dma_wait3A_23 = tpu.memref_slice %arg6[%scan3A_14, %dma_wait3A_22] : memref<512x64xf32, #tpu.memory_space<vmem>> -> memref<1x64xf32, #tpu.memory_space<vmem>>
      %dma_wait3A_24 = tpu.memref_squeeze %dma_wait3A_23 : memref<1x64xf32, #tpu.memory_space<vmem>> -> memref<64xf32, #tpu.memory_space<vmem>>
      %dma_wait3A_25 = arith.constant 0 : i32
      %dma_wait3A_26 = tpu.memref_slice %arg2[%dma_wait3A, %dma_wait3A_25] : memref<1000000x64xf32, #tpu.memory_space<hbm>> -> memref<1x64xf32, #tpu.memory_space<hbm>>
      %dma_wait3A_27 = tpu.memref_squeeze %dma_wait3A_26 : memref<1x64xf32, #tpu.memory_space<hbm>> -> memref<64xf32, #tpu.memory_space<hbm>>
      tpu.wait_dma2 semaphore(%arg7 : memref<!tpu.dma_semaphore, #tpu.memory_space<semaphore_mem>>) src(%dma_wait3A_27 : memref<64xf32, #tpu.memory_space<hbm>>) dst(%dma_wait3A_24 : memref<64xf32, #tpu.memory_space<vmem>>)
      %scan3A_28 = arith.constant 0 : i32
      scf.yield %scan3A_28 : i32
    }
    %scan3A_13 = arith.constant 512 : i32
    "tpu.region"() ({
      %run_scoped3A = tpu.sem_alloc : memref<!tpu.dma_semaphore, #tpu.memory_space<semaphore_mem>>
      %dma_start3A = arith.constant 0 : i32
      %dma_start3A_14 = arith.constant 0 : i32
      %dma_start3A_15 = tpu.memref_slice %arg4[%add3A, %dma_start3A, %dma_start3A_14] : memref<32x512x64xf32, #tpu.memory_space<hbm>> -> memref<1x512x64xf32, #tpu.memory_space<hbm>>
      %dma_start3A_16 = tpu.memref_squeeze %dma_start3A_15 : memref<1x512x64xf32, #tpu.memory_space<hbm>> -> memref<512x64xf32, #tpu.memory_space<hbm>>
      %dma_start3A_17 = arith.constant 0 : i32
      %dma_start3A_18 = arith.constant 0 : i32
      %dma_start3A_19 = tpu.memref_slice %arg4[%add3A, %dma_start3A_17, %dma_start3A_18] : memref<32x512x64xf32, #tpu.memory_space<hbm>> -> memref<1x512x64xf32, #tpu.memory_space<hbm>>
      %dma_start3A_20 = tpu.memref_squeeze %dma_start3A_19 : memref<1x512x64xf32, #tpu.memory_space<hbm>> -> memref<512x64xf32, #tpu.memory_space<hbm>>
      tpu.enqueue_dma source(%arg6 : memref<512x64xf32, #tpu.memory_space<vmem>>) target(%dma_start3A_20 : memref<512x64xf32, #tpu.memory_space<hbm>>) target_semaphore(%run_scoped3A : memref<!tpu.dma_semaphore, #tpu.memory_space<semaphore_mem>>)
      %dma_wait3A = arith.constant 0 : i32
      %dma_wait3A_21 = arith.constant 0 : i32
      %dma_wait3A_22 = tpu.memref_slice %arg4[%add3A, %dma_wait3A, %dma_wait3A_21] : memref<32x512x64xf32, #tpu.memory_space<hbm>> -> memref<1x512x64xf32, #tpu.memory_space<hbm>>
      %dma_wait3A_23 = tpu.memref_squeeze %dma_wait3A_22 : memref<1x512x64xf32, #tpu.memory_space<hbm>> -> memref<512x64xf32, #tpu.memory_space<hbm>>
      %dma_wait3A_24 = arith.constant 0 : i32
      %dma_wait3A_25 = arith.constant 0 : i32
      %dma_wait3A_26 = tpu.memref_slice %arg4[%add3A, %dma_wait3A_24, %dma_wait3A_25] : memref<32x512x64xf32, #tpu.memory_space<hbm>> -> memref<1x512x64xf32, #tpu.memory_space<hbm>>
      %dma_wait3A_27 = tpu.memref_squeeze %dma_wait3A_26 : memref<1x512x64xf32, #tpu.memory_space<hbm>> -> memref<512x64xf32, #tpu.memory_space<hbm>>
      tpu.wait_dma2 semaphore(%run_scoped3A : memref<!tpu.dma_semaphore, #tpu.memory_space<semaphore_mem>>) src(%arg6 : memref<512x64xf32, #tpu.memory_space<vmem>>) dst(%dma_wait3A_27 : memref<512x64xf32, #tpu.memory_space<hbm>>)
      tpu.yield
    }) : () -> ()
    return
  }
}

</mosaic_0001>

<sc_bundles>
// kernel: _sc_gather.3.cloned.1.call-start
scs
__scs_entry_jumppad:
0x0: {  	(pc) =	sbr.rel $0x88, $3  }
0x1: {  	(tag) =	ssettag $0x0;
	lr =	simm.s32 $0x1  }
0x2: {  	[smem:$0x3F9F] =	sst lr;
	_ =	strace $0xD0000000  }
0x3: {  	_ = 	snop  }
0x4: {  	_ = 	snop  }
0x5: {  	_ = 	snop  }
0x6: {  	_ = 	snop  }
0x7: {  	_ = 	snop  }
__scs_overlays_trampoline_lowered:
0x8: {  	[smem:$0x3FAE] =	sst s0  }
0x9: {  	[smem:$0x3FAF] =	sst s1  }
0xa: {  	[smem:$0x3FB0] =	sst s2  }
0xb: {  	[smem:$0x3FB1] =	sst s3  }
0xc: {  	[smem:$0x3FB2] =	sst s4  }
0xd: {  	[smem:$0x3FB3] =	sst s5  }
0xe: {  	[smem:$0x3FB4] =	sst s6  }
0xf: {  	[smem:$0x3FB5] =	sst s7  }
0x10: {  	[smem:$0x3FB6] =	sst s8  }
0x11: {  	[smem:$0x3FB7] =	sst s9;
	s0 =	simm.s32 @!p0 $0x0  }
0x12: {  	s1 =	sld [smem:$0x3F9D];
	s0 =	simm.s32 @p0 $0x1  }
0x13: {  	[smem:$0x3FB8] =	sst s0;
	s0 =	simm.s32 @!p1 $0x0  }
0x14: {  	s2 =	sld [smem:$0x3F9C];
	s0 =	simm.s32 @p1 $0x1  }
0x15: {  	[smem:$0x3FB9] =	sst s0;
	s0 =	simm.s32 @!p2 $0x0  }
0x16: {  	s3 =	sld [smem:$0x3FDB];
	s0 =	simm.s32 @p2 $0x1  }
0x17: {  	s4 =	simm.s32 $0x1BF5;
	[smem:$0x3FBB] =	sst s0  }
0x18: {  	s0 =	sld [smem:$0x3F9E];
	_ =	swait.ge [sflag:s4], $0x0  }
0x19: {  	s7 =	sld [smem:$0x3F9F]  }
0x1a: {  	s8 =	sadd.s32 $0xFFFFE003, lr  }
0x1b: {  	s9 =	sadd.s32 $0xFFFFFEF7, lr;
	s5 =	simm.s32 $0xFFFFFFFF;
	p2 =	slt.u32 s8, $0xFFFFF086  }
0x1c: {  	p1 =	slt.u32 s9, $0xF7A;
	s5 =	simm.s32 @!p2 $0x0  }
0x1d: {  	s5 =	simm.s32 @p1 $0x1;
	p0 =	seq.s32 s7, s2  }
0x1e: {  	s7 =	smul.u32 @!p0 $0xF7A, s2;
	p2 =	seq.s32 @!p0 s5, $0x0  }
0x1f: {  	s9 =	smul.u32 $0xF7A, s1;
	s8 =	simm.s32 @!p0 $0x1BF5;
	p2 =	por !p2, p0  }
0x20: {  	[sflag:s8] =	ssyncset.s32 @!p0 $0xFFFFF086;
	s6 =	sadd.s32 @!p0 s3, s7;
	s7 =	simm.s32 @!p0 $0x108  }
0x21: {  	s3 =	sadd.s32 s3, s9;
	s6 =	sadd.s32 @!p0 $0x88, s6;
	s7 =	simm.s32 @p2 $0x1082  }
0x22: {  	[simem:s7], [sflag:s8] =	dma.local @!p0 [hbm:s6], $0xF7A  }
0x23: {  	s9 =	sor.u32 $0xD0000000, s2;
	s6 =	simm.s32 $0x108;
	_ =	swait.ge @!p0 [sflag:s8], $0x0  }
0x24: {  	s3 =	sadd.s32 $0x88, s3;
	s6 =	simm.s32 @!p1 $0x1082;
	[sflag:s4] =	ssyncset.s32 $0xFFFFF086  }
0x25: {  	[simem:s6], [sflag:s4] =	dma.local [hbm:s3], $0xF7A  }
0x26: {  	[smem:$0x3F9F] =	sst s1;
	(tag) =	ssettag s2;
	_ =	strace s9  }
0x27: {  	s1 =	sld [smem:$0x3FAF]  }
0x28: {  	s2 =	sld [smem:$0x3FB0]  }
0x29: {  	s4 =	sld [smem:$0x3FB2]  }
0x2a: {  	p0 =	seq.s32 s5, $0x0;
	s5 =	sld [smem:$0x3FB3]  }
0x2b: {  	s6 =	sld [smem:$0x3FB4]  }
0x2c: {  	s7 =	sld [smem:$0x3FB5]  }
0x2d: {  	s3 =	simm.s32 $0x108;
	s8 =	sld [smem:$0x3FB6]  }
0x2e: {  	s3 =	simm.s32 @!p0 $0x1082;
	s9 =	sld [smem:$0x3FB7]  }
0x2f: {  	lr =	sadd.s32 s0, s3;
	s0 =	sld [smem:$0x3FAE]  }
0x30: {  	s3 =	sld [smem:$0x3FB1]  }
0x31: {  	[smem:$0x3FBA] =	sst s10  }
0x32: {  	s10 =	sld [smem:$0x3FB8];
	_ =	sdelay $0x3  }
0x33: {  	p0 =	seq.s32 s10, $0x1;
	s10 =	sld [smem:$0x3FBA];
	_ =	sdelay $0x3  }
0x34: {  	[smem:$0x3FBA] =	sst s10  }
0x35: {  	s10 =	sld [smem:$0x3FB9];
	_ =	sdelay $0x3  }
0x36: {  	p1 =	seq.s32 s10, $0x1;
	s10 =	sld [smem:$0x3FBA];
	_ =	sdelay $0x3  }
0x37: {  	[smem:$0x3FBA] =	sst s10  }
0x38: {  	s10 =	sld [smem:$0x3FBB]  }
0x39: {  	_ = 	snop;
	(pc) =	sbr.ind lr, $3  }
0x3a: {  	_ = 	snop  }
0x3b: {  	_ = 	snop  }
0x3c: {  	p2 =	seq.s32 s10, $0x1;
	s10 =	sld [smem:$0x3FBA]  }
0x3d: {  	_ =	shalt  }
0x3e: {  	_ =	shalt  }
0x3f: {  	_ =	shalt  }
0x40: {  	_ =	shalt  }
0x41: {  	_ =	shalt  }
0x42: {  	_ =	shalt  }
0x43: {  	_ =	shalt  }
0x44: {  	_ =	shalt  }
0x45: {  	_ =	shalt  }
0x46: {  	_ =	shalt  }
0x47: {  	_ =	shalt  }
0x48: {  	_ =	shalt  }
0x49: {  	_ =	shalt  }
0x4a: {  	_ =	shalt  }
0x4b: {  	_ =	shalt  }
0x4c: {  	_ =	shalt  }
0x4d: {  	_ =	shalt  }
0x4e: {  	_ =	shalt  }
0x4f: {  	_ =	shalt  }
0x50: {  	_ =	shalt  }
0x51: {  	_ =	shalt  }
0x52: {  	_ =	shalt  }
0x53: {  	_ =	shalt  }
0x54: {  	_ =	shalt  }
0x55: {  	_ =	shalt  }
0x56: {  	_ =	shalt  }
0x57: {  	_ =	shalt  }
0x58: {  	_ =	shalt  }
0x59: {  	_ =	shalt  }
0x5a: {  	_ =	shalt  }
0x5b: {  	_ =	shalt  }
0x5c: {  	_ =	shalt  }
0x5d: {  	_ =	shalt  }
0x5e: {  	_ =	shalt  }
0x5f: {  	_ =	shalt  }
0x60: {  	_ =	shalt  }
0x61: {  	_ =	shalt  }
0x62: {  	_ =	shalt  }
0x63: {  	_ =	shalt  }
0x64: {  	_ =	shalt  }
0x65: {  	_ =	shalt  }
0x66: {  	_ =	shalt  }
0x67: {  	_ =	shalt  }
0x68: {  	_ =	shalt  }
0x69: {  	_ =	shalt  }
0x6a: {  	_ =	shalt  }
0x6b: {  	_ =	shalt  }
0x6c: {  	_ =	shalt  }
0x6d: {  	_ =	shalt  }
0x6e: {  	_ =	shalt  }
0x6f: {  	_ =	shalt  }
0x70: {  	_ =	shalt  }
0x71: {  	_ =	shalt  }
0x72: {  	_ =	shalt  }
0x73: {  	_ =	shalt  }
0x74: {  	_ =	shalt  }
0x75: {  	_ =	shalt  }
0x76: {  	_ =	shalt  }
0x77: {  	_ =	shalt  }
0x78: {  	_ =	shalt  }
0x79: {  	_ =	shalt  }
0x7a: {  	_ =	shalt  }
0x7b: {  	_ =	shalt  }
0x7c: {  	_ =	shalt  }
0x7d: {  	_ =	shalt  }
0x7e: {  	_ =	shalt  }
0x7f: {  	_ =	shalt  }
0x80: {  	_ =	shalt  }
0x81: {  	_ =	shalt  }
0x82: {  	_ =	shalt  }
0x83: {  	_ =	shalt  }
0x84: {  	_ =	shalt  }
0x85: {  	_ =	shalt  }
0x86: {  	_ =	shalt  }
0x87: {  	_ =	shalt  }
.Lfunc_end0:
.L_simem_size_0:
called_computation_lowered:
.L_overlay_start_0:
0x88: {  	s2 =	sld [smem:$0x3FD9]  }
0x89: {  	s3 =	sld [smem:$0x3FFE];
	_ =	sdelay $0x1  }
0x8a: {  	s1 =	srdreg.scid  }
0x8b: {  	s0 =	sand.u32 $0x1, s1  }
0x8c: {  	s17 =	sshll.u32 s0, $0xA;
	s2 =	sadd.s32 s3, s2  }
0x8d: {  	s2 =	sadd.s32 s2, s17  }
0x8e: {  	[smem:$0x3FC6] =	sst s2  }
0x8f: {  	_ = 	snop  }
0x90: {  	s2 =	sld [smem:$0x3FD0];
	(tm) =	ssettm $0x1  }
0x91: {  	s18 =	sld [smem:$0x3FFB];
	_ =	sdelay $0x3  }
0x92: {  	_ =	strace s18  }
0x93: {  	s3 =	sld [smem:$0x3FFC];
	_ =	sdelay $0x3  }
0x94: {  	_ =	strace s3  }
0x95: {  	s3 =	sld [smem:$0x3FFD];
	_ =	sdelay $0x3  }
0x96: {  	_ =	strace s3  }
0x97: {  	_ =	strace $0x8FFFFFFF  }
0x98: {  	s19 =	sld [smem:$0x3FDB];
	_ =	sdelay $0x1  }
0x99: {  	s4 =	simm.s32 $_scs_section_size  }
0x9a: {  	s5 =	simm.s32 $_size__tile_overlayer_lowered;
	s6 =	simm.s32 $_tile_overlayer_lowered  }
0x9b: {  	s22 =	simm.s32 $0x1BFF;
	s21 =	sshll.u32 s6, $0x1;
	s3 =	sadd.s32 s4, s19  }
0x9c: {  	s7 =	simm.s32 $0x0;
	s20 =	sshll.u32 s5, $0x1;
	s5 =	sadd.s32 s21, s3  }
0x9d: {  	[timem:s7], [sflag:s22] =	dma.local [hbm:s5], s20  }
0x9e: {  	_ =	swait.ge [sflag:s22], s20  }
0x9f: {  	s4 =	ssub.s32 $0x0, s20;
	[sflag:s22] =	ssyncset.done $0x0  }
0xa0: {  	[sflag:s22] =	ssyncadd.s32 s4;
	_ =	sdelay $0x1  }
0xa1: {  	s23 =	simm.s32 $0x1B8B  }
0xa2: {  	_ =	swait.ge [sflag:s23], $0x1  }
0xa3: {  	[sflag:s23] =	ssyncset.done $0x0  }
0xa4: {  	s25 =	simm.s32 $0x1B8E;
	s24 =	sld [smem:$0x3FFE];
	[sflag:s23] =	ssyncadd.s32 $0xFFFFFFFF  }
0xa5: {  	s26 =	simm.s32 $execute0_lowered;
	[smem:$0x3FD2] =	sst s25  }
0xa6: {  	s5 =	sshll.u32 s26, $0x1;
	_ =	strace $0x80000046;
	[dreg:$0x1] =	wrdreg $0xFFFFFFFF  }
0xa7: {  	s28 =	simm.s32 $_size_execute0_lowered;
	s3 =	sadd.s32 s3, s5;
	[dreg:$0x0] =	wrdreg $0x0  }
0xa8: {  	s5 =	sshll.u32 s28, $0x1;
	[dreg:$0x2] =	wrdreg s3  }
0xa9: {  	[dreg:$0x3] =	wrdreg s5  }
0xaa: {  	[dreg:$0x4] =	wrdreg $0xC0  }
0xab: {  	_ =	task [dreg:s7], $0x5FFFF  }
0xac: {  	[dreg:$0x1] =	wrdreg $0xFFFFFFFF  }
0xad: {  	[dreg:$0x0] =	wrdreg $0x60  }
0xae: {  	[dreg:$0x2] =	wrdreg s24  }
0xaf: {  	[dreg:$0x3] =	wrdreg s2  }
0xb0: {  	[dreg:$0x4] =	wrdreg $0x9  }
0xb1: {  	_ =	task.clear_ibuf [dreg:s7], $0x5FFFF;
	_ =	strace $0x90000046  }
0xb2: {  	s29 =	simm.s32 $0x9;
	_ =	strace $0x80000048  }
0xb3: {  	_ =	swait.ge [sflag:s29], $0x1  }
0xb4: {  	[sflag:s29] =	ssyncadd.s32 $0xFFFFFFFF  }
0xb5: {  	_ =	strace $0x90000048  }
0xb6: {  	_ =	sfence  }
0xb7: {  	s30 =	sld [smem:$0x0];
	_ =	sdelay $0x2  }
0xb8: {  	s31 =	sshll.u32 s1, $0xD;
	s1 =	sshrl.u32 s1, $0x2  }
0xb9: {  	s3 =	sand.u32 $0x4000, s31;
	s1 =	sadd.s32 s1, s30  }
0xba: {  	s0 =	sor.u32 s3, s0;
	s1 =	sshll.u32 s1, $0x11  }
0xbb: {  	s0 =	sor.u32 s1, s0  }
0xbc: {  	s0 =	sadd.s32 $0x8F2B, s0  }
0xbd: {  	[sflag:s0] =	ssyncadd.remote.s32 $0x1  }
0xbe: {  	_ =	sfence.sel $0xFFFF  }
0xbf: {  	[dreg:$0x0] =	wrdreg $0xFFFFFFFF;
	(pc) =	sbr.abs _section_cstart, $3  }
0xc0: {  	[dreg:$0x1] =	wrdreg $0xFFFFFFFF  }
0xc1: {  	_ =	task.clear_ibuf [dreg:s7], $0x2FFFF;
	_ =	strace $0x9FFFFFFF  }
0xc2: {  	(tm) =	ssettm $0x7FFFFFFF  }
0xc3: {  	_ =	shalt  }
tec
execute0_lowered:
.L_overlay_start_1:
0x0: {  	(tag) =	ssettag $0x1  }
0x1: {  	s4 =	rddreg [dreg:$0x0]  }
0x2: {  	s5 =	rddreg [dreg:$0x1]  }
0x3: {  	s0 =	rddreg [dreg:$0x2];
	s2 =	simm.s32 $0x0  }
0x4: {  	s3 =	srdreg.scid;
	s1 =	stileid.u32;
	s10 =	simm.s32 $0x0  }
0x5: {  	vm0 =	vmmov $0x1;
	[smem:$0x7FF] =	sst s2;
	s6 =	sand.u32 $0x1, s3;
	s7 =	sshll.u32 s1, $0x1  }
0x6: {  	vm1 =	vcmask $0x308;
	vm2 =	vcmask $0x70C;
	vm3 =	vcmask $0xB10;
	s3 =	sadd.s32 $0x400, s4;
	s7 =	sor.u32 s6, s7;
	s6 =	ssub.s32 $0x2, s6  }
0x7: {  	vm4 =	vcmask $0xF14;
	vm5 =	vcmask $0x1318;
	vm6 =	vcmask $0x171C;
	_ =	strace $0x80000047;
	s8 =	sshll.u32 s7, $0xD;
	s9 =	sshrl.u32 s6, $0x1  }
0x8: {  	vm7 =	vcmask $0x1B20;
	vm8 =	vcmask $0x1F24;
	vm9 =	vcmask $0x2328;
	s7 =	sshll.u32 s7, $0x9;
	s8 =	sadd.s32 s8, s4;
	s6 =	ssub.s32 s6, s9  }
0x9: {  	vm10 =	vcmask $0x272C;
	vm11 =	vcmask $0x2B30;
	vm12 =	vcmask $0x2F34;
	s4 =	sadd.s32 s5, s7;
	s7 =	simm.s32 $0x2;
	s9 =	simm.s32 $0x1000  }
0xa: {  	vm13 =	vcmask $0x3338;
	vm14 =	vcmask $0x373C;
	vm15 =	vmmov $0x7fff;
	s5 =	sadd.s32 $0xF42800, s8;
	s6 =	smax.u32 s6, $0x1;
	s8 =	simm.s32 $0x1  }
.LBB2_1:
0xb: {  	[tilespmem:s2], [sflag:$0x2] =	stream.linear.gather [hbm4b:s4+s2], $0x1000, $0x38;
	[tilespmem:$0x11000] =	vst v63  }
0xc: {  	_ =	swait.ge [sflag:s7], $0x1000  }
0xd: {  	[sflag:s7] =	ssyncset.done $0x0  }
0xe: {  	[sflag:s7] =	ssyncadd.s32 $0xFFFFF000  }
0xf: {  	v0 =	vld [tilespmem:s2+$0x0];
	_ =	sdelay $0x4  }
0x10: {  	v1 =	vnsel vm0, $0x0, v0  }
0x11: {  	(xrf0) =	vadd.scan.msk.s32 $0xffff, v1  }
0x12: {  	v35 =	vsel vm1, $0x0, v0  }
0x13: {  	(xrf0) =	vadd.scan.msk.s32 $0xffff, v35;
	_ =	sdelay $0x1  }
0x14: {  	v36 =	vsel vm2, $0x0, v0  }
0x15: {  	(xrf0) =	vadd.scan.msk.s32 $0xffff, v36  }
0x16: {  	v37, _, _ =	vpop (xrf0)  }
0x17: {  	(v2sf) =	vpush v37, $0xF  }
0x18: {  	v38 =	vsel vm3, $0x0, v0;
	v2, _, _ =	vpop (xrf0)  }
0x19: {  	(xrf0) =	vadd.scan.msk.s32 $0xffff, v38;
	(v2sf) =	vpush v2, $0xF;
	_ =	sdelay $0x1  }
0x1a: {  	v39, _, _ =	vpop (xrf0)  }
0x1b: {  	v40 =	vsel vm4, $0x0, v0;
	(v2sf) =	vpush v39, $0xF  }
0x1c: {  	(xrf0) =	vadd.scan.msk.s32 $0xffff, v40;
	_ =	sdelay $0x1  }
0x1d: {  	v41, _, _ =	vpop (xrf0)  }
0x1e: {  	v42 =	vsel vm5, $0x0, v0;
	(v2sf) =	vpush v41, $0xF  }
0x1f: {  	(xrf0) =	vadd.scan.msk.s32 $0xffff, v42;
	_ =	sdelay $0x1  }
0x20: {  	v43, _, _ =	vpop (xrf0)  }
0x21: {  	v44 =	vsel vm6, $0x0, v0;
	(v2sf) =	vpush v43, $0xF  }
0x22: {  	(xrf0) =	vadd.scan.msk.s32 $0xffff, v44  }
0x23: {  	v46 =	vsel vm7, $0x0, v0;
	s11 =	spop (v2sf)  }
0x24: {  	v45, _, _ =	vpop (xrf0);
	(xrf0) =	vadd.scan.msk.s32 $0xffff, v46;
	s11 =	sshll.u32 s11, $0x4  }
0x25: {  	(v2sf) =	vpush v45, $0xF;
	s12 =	spop (v2sf);
	s11 =	sand.u32 $0x1FFFFFF0, s11  }
0x26: {  	s13 =	simm.s32 $0x1000;
	s12 =	sshll.u32 s12, $0x4;
	s11 =	sadd.s32 s3, s11  }
0x27: {  	[tilespmem:s13], [sflag:$0x1] =	stream.linear.gather [hbm4b:s11+s2], $0x80, $0x38;
	[tilespmem:$0x11000] =	vst v63  }
0x28: {  	v47, _, _ =	vpop (xrf0);
	s14 =	spop (v2sf);
	s12 =	sand.u32 $0x1FFFFFF0, s12  }
0x29: {  	v48 =	vsel vm8, $0x0, v0;
	(v2sf) =	vpush v47, $0xF;
	[tilespmem:s13], [sflag:$0x1] =	stream.linear.gather [hbm4b:s11+s2], $0x80, $0x38;
	[tilespmem:$0x11000] =	vst v63  }
0x2a: {  	s26 =	simm.s32 $0x1080;
	(xrf0) =	vadd.scan.msk.s32 $0xffff, v48;
	v49, _, _ =	vpop (xrf0);
	s28 =	sshll.u32 s14, $0x4;
	s12 =	sadd.s32 s3, s12  }
0x2b: {  	(v2sf) =	vpush v49, $0xF;
	[tilespmem:s26], [sflag:$0x1] =	stream.linear.gather [hbm4b:s12+s2], $0x80, $0x38;
	[tilespmem:$0x11000] =	vst v63  }
0x2c: {  	s13 =	sand.u32 $0x1FFFFFF0, s28;
	s29 =	spop (v2sf)  }
0x2d: {  	v50 =	vsel vm9, $0x0, v0;
	[tilespmem:s26], [sflag:$0x1] =	stream.linear.gather [hbm4b:s12+s2], $0x80, $0x38;
	[tilespmem:$0x11000] =	vst v63  }
0x2e: {  	s30 =	simm.s32 $0x1100;
	(xrf0) =	vadd.scan.msk.s32 $0xffff, v50;
	s31 =	sadd.s32 s3, s13;
	s15 =	sshll.u32 s29, $0x4  }
0x2f: {  	[tilespmem:s30], [sflag:$0x1] =	stream.linear.gather [hbm4b:s31+s2], $0x80, $0x38;
	[tilespmem:$0x11000] =	vst v63  }
0x30: {  	v51, _, _ =	vpop (xrf0);
	s16 =	spop (v2sf);
	s13 =	sand.u32 $0x1FFFFFF0, s15  }
0x31: {  	v52 =	vsel vm10, $0x0, v0;
	(v2sf) =	vpush v51, $0xF;
	[tilespmem:s30], [sflag:$0x1] =	stream.linear.gather [hbm4b:s31+s2], $0x80, $0x38;
	[tilespmem:$0x11000] =	vst v63  }
0x32: {  	s17 =	simm.s32 $0x1180;
	(xrf0) =	vadd.scan.msk.s32 $0xffff, v52;
	s19 =	sshll.u32 s16, $0x4;
	s18 =	sadd.s32 s3, s13  }
0x33: {  	v54 =	vsel vm11, $0x0, v0;
	[tilespmem:s17], [sflag:$0x1] =	stream.linear.gather [hbm4b:s18+s2], $0x80, $0x38;
	[tilespmem:$0x11000] =	vst v63  }
0x34: {  	v53, _, _ =	vpop (xrf0);
	(xrf0) =	vadd.scan.msk.s32 $0xffff, v54;
	s13 =	sand.u32 $0x1FFFFFF0, s19;
	s20 =	spop (v2sf)  }
0x35: {  	(v2sf) =	vpush v53, $0xF;
	[tilespmem:s17], [sflag:$0x1] =	stream.linear.gather [hbm4b:s18+s2], $0x80, $0x38;
	[tilespmem:$0x11000] =	vst v63  }
0x36: {  	s21 =	simm.s32 $0x1200;
	s22 =	sadd.s32 s3, s13;
	s23 =	sshll.u32 s20, $0x4  }
0x37: {  	[tilespmem:s21], [sflag:$0x1] =	stream.linear.gather [hbm4b:s22+s2], $0x80, $0x38;
	[tilespmem:$0x11000] =	vst v63  }
0x38: {  	s25 =	simm.s32 $0x1280;
	v55, _, _ =	vpop (xrf0);
	s24 =	spop (v2sf);
	s13 =	sand.u32 $0x1FFFFFF0, s23  }
0x39: {  	v56 =	vsel vm12, $0x0, v0;
	(v2sf) =	vpush v55, $0xF;
	[tilespmem:s21], [sflag:$0x1] =	stream.linear.gather [hbm4b:s22+s2], $0x80, $0x38;
	[tilespmem:$0x11000] =	vst v63  }
0x3a: {  	(xrf0) =	vadd.scan.msk.s32 $0xffff, v56;
	v57, _, _ =	vpop (xrf0);
	s28 =	sshll.u32 s24, $0x4;
	s26 =	sadd.s32 s3, s13;
	s29 =	spop (v2sf)  }
0x3b: {  	(v2sf) =	vpush v57, $0xF;
	[tilespmem:s25], [sflag:$0x1] =	stream.linear.gather [hbm4b:s26+s2], $0x80, $0x38;
	[tilespmem:$0x11000] =	vst v63  }
0x3c: {  	s13 =	sand.u32 $0x1FFFFFF0, s28  }
0x3d: {  	v58 =	vsel vm13, $0x0, v0;
	[tilespmem:s25], [sflag:$0x1] =	stream.linear.gather [hbm4b:s26+s2], $0x80, $0x38;
	[tilespmem:$0x11000] =	vst v63  }
0x3e: {  	(xrf0) =	vadd.scan.msk.s32 $0xffff, v58;
	s30 =	simm.s32 $0x1300;
	s31 =	sadd.s32 s3, s13;
	s15 =	sshll.u32 s29, $0x4  }
0x3f: {  	[tilespmem:s30], [sflag:$0x1] =	stream.linear.gather [hbm4b:s31+s2], $0x80, $0x38;
	[tilespmem:$0x11000] =	vst v63  }
0x40: {  	v59, _, _ =	vpop (xrf0);
	s13 =	sand.u32 $0x1FFFFFF0, s15;
	s16 =	spop (v2sf)  }
0x41: {  	v60 =	vsel vm14, $0x0, v0;
	(v2sf) =	vpush v59, $0xF;
	[tilespmem:s30], [sflag:$0x1] =	stream.linear.gather [hbm4b:s31+s2], $0x80, $0x38;
	[tilespmem:$0x11000] =	vst v63  }
0x42: {  	(xrf0) =	vadd.scan.msk.s32 $0xffff, v60;
	s17 =	simm.s32 $0x1380;
	s18 =	sadd.s32 s3, s13;
	s19 =	sshll.u32 s16, $0x4  }
0x43: {  	v0 =	vsel vm15, $0x0, v0;
	[tilespmem:s17], [sflag:$0x1] =	stream.linear.gather [hbm4b:s18+s2], $0x80, $0x38;
	[tilespmem:$0x11000] =	vst v63  }
0x44: {  	v61, _, _ =	vpop (xrf0);
	(xrf0) =	vadd.scan.msk.s32 $0xffff, v0;
	s13 =	sand.u32 $0x1FFFFFF0, s19;
	s20 =	spop (v2sf)  }
0x45: {  	(v2sf) =	vpush v61, $0xF;
	[tilespmem:s17], [sflag:$0x1] =	stream.linear.gather [hbm4b:s18+s2], $0x80, $0x38;
	[tilespmem:$0x11000] =	vst v63  }
0x46: {  	s21 =	simm.s32 $0x1400;
	s22 =	sadd.s32 s3, s13;
	s23 =	sshll.u32 s20, $0x4  }
0x47: {  	[tilespmem:s21], [sflag:$0x1] =	stream.linear.gather [hbm4b:s22+s2], $0x80, $0x38;
	[tilespmem:$0x11000] =	vst v63  }
0x48: {  	v62, _, _ =	vpop (xrf0);
	s25 =	simm.s32 $0x1480;
	s24 =	spop (v2sf);
	s13 =	sand.u32 $0x1FFFFFF0, s23  }
0x49: {  	(v2sf) =	vpush v62, $0xF;
	[tilespmem:s21], [sflag:$0x1] =	stream.linear.gather [hbm4b:s22+s2], $0x80, $0x38;
	[tilespmem:$0x11000] =	vst v63  }
0x4a: {  	v63, _, _ =	vpop (xrf0);
	s28 =	sshll.u32 s24, $0x4;
	s26 =	sadd.s32 s3, s13;
	s29 =	spop (v2sf)  }
0x4b: {  	(v2sf) =	vpush v63, $0xF;
	[tilespmem:s25], [sflag:$0x1] =	stream.linear.gather [hbm4b:s26+s2], $0x80, $0x38;
	[tilespmem:$0x11000] =	vst v63  }
0x4c: {  	s13 =	sand.u32 $0x1FFFFFF0, s28  }
0x4d: {  	[tilespmem:s25], [sflag:$0x1] =	stream.linear.gather [hbm4b:s26+s2], $0x80, $0x38;
	[tilespmem:$0x11000] =	vst v63  }
0x4e: {  	s30 =	simm.s32 $0x1500;
	s31 =	sadd.s32 s3, s13;
	s14 =	sshll.u32 s29, $0x4  }
0x4f: {  	[tilespmem:s30], [sflag:$0x1] =	stream.linear.gather [hbm4b:s31+s2], $0x80, $0x38;
	[tilespmem:$0x11000] =	vst v63  }
0x50: {  	s13 =	sand.u32 $0x1FFFFFF0, s14;
	s15 =	spop (v2sf)  }
0x51: {  	[tilespmem:s30], [sflag:$0x1] =	stream.linear.gather [hbm4b:s31+s2], $0x80, $0x38;
	[tilespmem:$0x11000] =	vst v63  }
0x52: {  	s16 =	simm.s32 $0x1580;
	s17 =	sadd.s32 s3, s13;
	s18 =	sshll.u32 s15, $0x4  }
0x53: {  	[tilespmem:s16], [sflag:$0x1] =	stream.linear.gather [hbm4b:s17+s2], $0x80, $0x38;
	[tilespmem:$0x11000] =	vst v63  }
0x54: {  	s13 =	sand.u32 $0x1FFFFFF0, s18;
	s19 =	spop (v2sf)  }
0x55: {  	[tilespmem:s16], [sflag:$0x1] =	stream.linear.gather [hbm4b:s17+s2], $0x80, $0x38;
	[tilespmem:$0x11000] =	vst v63  }
0x56: {  	s20 =	simm.s32 $0x1600;
	s21 =	sadd.s32 s3, s13;
	s22 =	sshll.u32 s19, $0x4  }
0x57: {  	[tilespmem:s20], [sflag:$0x1] =	stream.linear.gather [hbm4b:s21+s2], $0x80, $0x38;
	[tilespmem:$0x11000] =	vst v63  }
0x58: {  	s24 =	simm.s32 $0x1680;
	s23 =	spop (v2sf);
	s13 =	sand.u32 $0x1FFFFFF0, s22  }
0x59: {  	[tilespmem:s20], [sflag:$0x1] =	stream.linear.gather [hbm4b:s21+s2], $0x80, $0x38;
	[tilespmem:$0x11000] =	vst v63  }
0x5a: {  	s26 =	sshll.u32 s23, $0x4;
	s25 =	sadd.s32 s3, s13;
	s28 =	spop (v2sf)  }
0x5b: {  	[tilespmem:s24], [sflag:$0x1] =	stream.linear.gather [hbm4b:s25+s2], $0x80, $0x38;
	[tilespmem:$0x11000] =	vst v63  }
0x5c: {  	s11 =	simm.s32 $0x2000;
	s13 =	sand.u32 $0x1FFFFFF0, s26;
	s30 =	sshll.u32 s28, $0x4  }
0x5d: {  	[tilespmem:s24], [sflag:$0x1] =	stream.linear.gather [hbm4b:s25+s2], $0x80, $0x38;
	[tilespmem:$0x11000] =	vst v63  }
0x5e: {  	s29 =	simm.s32 $0x1700;
	s13 =	sadd.s32 s3, s13;
	s31 =	sand.u32 $0x1FFFFFF0, s30  }
0x5f: {  	[tilespmem:s29], [sflag:$0x1] =	stream.linear.gather [hbm4b:s13+s2], $0x80, $0x38;
	[tilespmem:$0x11000] =	vst v63  }
0x60: {  	s12 =	simm.s32 $0x80;
	s14 =	simm.s32 $0x1780;
	s15 =	sadd.s32 s3, s31  }
0x61: {  	[tilespmem:s29], [sflag:$0x1] =	stream.linear.gather [hbm4b:s13+s2], $0x80, $0x38;
	[tilespmem:$0x11000] =	vst v63  }
.LBB2_2:
0x62: {  	[tilespmem:s14], [sflag:$0x1] =	stream.linear.gather [hbm4b:s15+s2], $0x80, $0x38;
	[tilespmem:$0x11000] =	vst v63  }
0x63: {  	p0 =	sne.s32 s11, $0x3E000;
	s13 =	smov.u32 s11;
	s11 =	sadd.s32 $0x2000, s11  }
0x64: {  	[tilespmem:s14], [sflag:$0x1] =	stream.linear.gather [hbm4b:s15+s2], $0x80, $0x38;
	[tilespmem:$0x11000] =	vst v63  }
0x65: {  	v0 =	vld [tilespmem:s12+$0x0];
	_ =	sdelay $0x4  }
0x66: {  	v1 =	vnsel vm0, $0x0, v0;
	v2 =	vsel vm1, $0x0, v0;
	v3 =	vsel vm2, $0x0, v0  }
0x67: {  	v4 =	vsel vm3, $0x0, v0;
	v5 =	vsel vm4, $0x0, v0;
	v6 =	vsel vm5, $0x0, v0;
	(xrf0) =	vadd.scan.msk.s32 $0xffff, v1  }
0x68: {  	v7 =	vsel vm7, $0x0, v0;
	v8 =	vsel vm8, $0x0, v0;
	v1 =	vsel vm6, $0x0, v0;
	(xrf0) =	vadd.scan.msk.s32 $0xffff, v2  }
0x69: {  	v9 =	vsel vm10, $0x0, v0;
	v10 =	vsel vm11, $0x0, v0;
	v2 =	vsel vm9, $0x0, v0;
	(xrf0) =	vadd.scan.msk.s32 $0xffff, v3  }
0x6a: {  	v11 =	vsel vm13, $0x0, v0;
	v12 =	vsel vm14, $0x0, v0;
	v3 =	vsel vm12, $0x0, v0;
	(xrf0) =	vadd.scan.msk.s32 $0xffff, v4  }
0x6b: {  	v0 =	vsel vm15, $0x0, v0;
	(xrf0) =	vadd.scan.msk.s32 $0xffff, v5  }
0x6c: {  	(xrf0) =	vadd.scan.msk.s32 $0xffff, v6  }
0x6d: {  	v4, _, _ =	vpop (xrf0);
	(xrf0) =	vadd.scan.msk.s32 $0xffff, v1  }
0x6e: {  	(v2sf) =	vpush v4, $0xF;
	v1, _, _ =	vpop (xrf0);
	(xrf0) =	vadd.scan.msk.s32 $0xffff, v7  }
0x6f: {  	(v2sf) =	vpush v1, $0xF;
	v1, _, _ =	vpop (xrf0);
	(xrf0) =	vadd.scan.msk.s32 $0xffff, v8  }
0x70: {  	v4, _, _ =	vpop (xrf0);
	(xrf0) =	vadd.scan.msk.s32 $0xffff, v2  }
0x71: {  	(v2sf) =	vpush v1, $0xF;
	v1, _, _ =	vpop (xrf0);
	(xrf0) =	vadd.scan.msk.s32 $0xffff, v9  }
0x72: {  	v2, _, _ =	vpop (xrf0);
	(xrf0) =	vadd.scan.msk.s32 $0xffff, v10  }
0x73: {  	v5, _, _ =	vpop (xrf0);
	(xrf0) =	vadd.scan.msk.s32 $0xffff, v3  }
0x74: {  	v3, _, _ =	vpop (xrf0);
	(xrf0) =	vadd.scan.msk.s32 $0xffff, v11  }
0x75: {  	(v2sf) =	vpush v4, $0xF;
	v4, _, _ =	vpop (xrf0);
	(xrf0) =	vadd.scan.msk.s32 $0xffff, v12  }
0x76: {  	v6, _, _ =	vpop (xrf0);
	(xrf0) =	vadd.scan.msk.s32 $0xffff, v0  }
0x77: {  	v0, _, _ =	vpop (xrf0)  }
0x78: {  	v7, _, _ =	vpop (xrf0)  }
0x79: {  	(v2sf) =	vpush v1, $0xF;
	v1, _, _ =	vpop (xrf0)  }
0x7a: {  	v8, _, _ =	vpop (xrf0)  }
0x7b: {  	v9, _, _ =	vpop (xrf0)  }
0x7c: {  	s13 =	sshra.s32 s13, $0x2;
	v10, _, _ =	vpop (xrf0)  }
0x7d: {  	s14 =	spop (v2sf);
	(v2sf) =	vpush v2, $0xF  }
0x7e: {  	s14 =	sshll.u32 s14, $0x4;
	s15 =	spop (v2sf)  }
0x7f: {  	s16 =	sadd.s32 $0x1000, s13;
	s14 =	sand.u32 $0x1FFFFFF0, s14;
	s15 =	sshll.u32 s15, $0x4  }
0x80: {  	s14 =	sadd.s32 s3, s14;
	s15 =	sand.u32 $0x1FFFFFF0, s15;
	s17 =	spop (v2sf)  }
0x81: {  	[tilespmem:s16], [sflag:$0x1] =	stream.linear.gather [hbm4b:s14+s2], $0x80, $0x38;
	(v2sf) =	vpush v5, $0xF;
	[tilespmem:$0x11000] =	vst v63  }
0x82: {  	s18 =	sadd.s32 $0x1080, s13;
	s15 =	sadd.s32 s3, s15;
	s17 =	sshll.u32 s17, $0x4  }
0x83: {  	[tilespmem:s16], [sflag:$0x1] =	stream.linear.gather [hbm4b:s14+s2], $0x80, $0x38;
	[tilespmem:$0x11000] =	vst v63  }
0x84: {  	s14 =	sand.u32 $0x1FFFFFF0, s17;
	s16 =	spop (v2sf)  }
0x85: {  	[tilespmem:s18], [sflag:$0x1] =	stream.linear.gather [hbm4b:s15+s2], $0x80, $0x38;
	(v2sf) =	vpush v3, $0xF;
	[tilespmem:$0x11000] =	vst v63  }
0x86: {  	s17 =	sadd.s32 $0x1100, s13;
	s14 =	sadd.s32 s3, s14;
	s16 =	sshll.u32 s16, $0x4  }
0x87: {  	[tilespmem:s18], [sflag:$0x1] =	stream.linear.gather [hbm4b:s15+s2], $0x80, $0x38;
	[tilespmem:$0x11000] =	vst v63  }
0x88: {  	s15 =	sand.u32 $0x1FFFFFF0, s16;
	s16 =	spop (v2sf)  }
0x89: {  	[tilespmem:s17], [sflag:$0x1] =	stream.linear.gather [hbm4b:s14+s2], $0x80, $0x38;
	(v2sf) =	vpush v4, $0xF;
	[tilespmem:$0x11000] =	vst v63  }
0x8a: {  	s18 =	sadd.s32 $0x1180, s13;
	s15 =	sadd.s32 s3, s15;
	s16 =	sshll.u32 s16, $0x4  }
0x8b: {  	[tilespmem:s17], [sflag:$0x1] =	stream.linear.gather [hbm4b:s14+s2], $0x80, $0x38;
	[tilespmem:$0x11000] =	vst v63  }
0x8c: {  	s14 =	sand.u32 $0x1FFFFFF0, s16;
	s16 =	spop (v2sf)  }
0x8d: {  	[tilespmem:s18], [sflag:$0x1] =	stream.linear.gather [hbm4b:s15+s2], $0x80, $0x38;
	(v2sf) =	vpush v6, $0xF;
	[tilespmem:$0x11000] =	vst v63  }
0x8e: {  	s17 =	sadd.s32 $0x1200, s13;
	s14 =	sadd.s32 s3, s14;
	s16 =	sshll.u32 s16, $0x4  }
0x8f: {  	[tilespmem:s18], [sflag:$0x1] =	stream.linear.gather [hbm4b:s15+s2], $0x80, $0x38;
	[tilespmem:$0x11000] =	vst v63  }
0x90: {  	s15 =	sand.u32 $0x1FFFFFF0, s16;
	s16 =	spop (v2sf)  }
0x91: {  	[tilespmem:s17], [sflag:$0x1] =	stream.linear.gather [hbm4b:s14+s2], $0x80, $0x38;
	(v2sf) =	vpush v0, $0xF;
	[tilespmem:$0x11000] =	vst v63  }
0x92: {  	s18 =	sadd.s32 $0x1280, s13;
	s15 =	sadd.s32 s3, s15;
	s16 =	sshll.u32 s16, $0x4  }
0x93: {  	[tilespmem:s17], [sflag:$0x1] =	stream.linear.gather [hbm4b:s14+s2], $0x80, $0x38;
	[tilespmem:$0x11000] =	vst v63  }
0x94: {  	s14 =	sand.u32 $0x1FFFFFF0, s16;
	s16 =	spop (v2sf)  }
0x95: {  	[tilespmem:s18], [sflag:$0x1] =	stream.linear.gather [hbm4b:s15+s2], $0x80, $0x38;
	(v2sf) =	vpush v7, $0xF;
	[tilespmem:$0x11000] =	vst v63  }
0x96: {  	s17 =	sadd.s32 $0x1300, s13;
	s14 =	sadd.s32 s3, s14;
	s16 =	sshll.u32 s16, $0x4  }
0x97: {  	[tilespmem:s18], [sflag:$0x1] =	stream.linear.gather [hbm4b:s15+s2], $0x80, $0x38;
	[tilespmem:$0x11000] =	vst v63  }
0x98: {  	s15 =	sand.u32 $0x1FFFFFF0, s16;
	s16 =	spop (v2sf)  }
0x99: {  	[tilespmem:s17], [sflag:$0x1] =	stream.linear.gather [hbm4b:s14+s2], $0x80, $0x38;
	(v2sf) =	vpush v1, $0xF;
	[tilespmem:$0x11000] =	vst v63  }
0x9a: {  	s18 =	sadd.s32 $0x1380, s13;
	s15 =	sadd.s32 s3, s15;
	s16 =	sshll.u32 s16, $0x4  }
0x9b: {  	[tilespmem:s17], [sflag:$0x1] =	stream.linear.gather [hbm4b:s14+s2], $0x80, $0x38;
	[tilespmem:$0x11000] =	vst v63  }
0x9c: {  	s14 =	sand.u32 $0x1FFFFFF0, s16;
	s16 =	spop (v2sf)  }
0x9d: {  	[tilespmem:s18], [sflag:$0x1] =	stream.linear.gather [hbm4b:s15+s2], $0x80, $0x38;
	(v2sf) =	vpush v8, $0xF;
	[tilespmem:$0x11000] =	vst v63  }
0x9e: {  	s17 =	sadd.s32 $0x1400, s13;
	s14 =	sadd.s32 s3, s14;
	s16 =	sshll.u32 s16, $0x4  }
0x9f: {  	[tilespmem:s18], [sflag:$0x1] =	stream.linear.gather [hbm4b:s15+s2], $0x80, $0x38;
	[tilespmem:$0x11000] =	vst v63  }
0xa0: {  	s15 =	sand.u32 $0x1FFFFFF0, s16;
	s16 =	spop (v2sf)  }
0xa1: {  	[tilespmem:s17], [sflag:$0x1] =	stream.linear.gather [hbm4b:s14+s2], $0x80, $0x38;
	(v2sf) =	vpush v9, $0xF;
	[tilespmem:$0x11000] =	vst v63  }
0xa2: {  	s18 =	sadd.s32 $0x1480, s13;
	s15 =	sadd.s32 s3, s15;
	s16 =	sshll.u32 s16, $0x4  }
0xa3: {  	[tilespmem:s17], [sflag:$0x1] =	stream.linear.gather [hbm4b:s14+s2], $0x80, $0x38;
	[tilespmem:$0x11000] =	vst v63  }
0xa4: {  	s14 =	sand.u32 $0x1FFFFFF0, s16;
	s16 =	spop (v2sf)  }
0xa5: {  	[tilespmem:s18], [sflag:$0x1] =	stream.linear.gather [hbm4b:s15+s2], $0x80, $0x38;
	(v2sf) =	vpush v10, $0xF;
	[tilespmem:$0x11000] =	vst v63  }
0xa6: {  	s17 =	sadd.s32 $0x1500, s13;
	s14 =	sadd.s32 s3, s14;
	s16 =	sshll.u32 s16, $0x4  }
0xa7: {  	[tilespmem:s18], [sflag:$0x1] =	stream.linear.gather [hbm4b:s15+s2], $0x80, $0x38;
	[tilespmem:$0x11000] =	vst v63  }
0xa8: {  	s15 =	sand.u32 $0x1FFFFFF0, s16;
	s16 =	spop (v2sf)  }
0xa9: {  	[tilespmem:s17], [sflag:$0x1] =	stream.linear.gather [hbm4b:s14+s2], $0x80, $0x38;
	[tilespmem:$0x11000] =	vst v63  }
0xaa: {  	s18 =	sadd.s32 $0x1580, s13;
	s15 =	sadd.s32 s3, s15;
	s16 =	sshll.u32 s16, $0x4  }
0xab: {  	[tilespmem:s17], [sflag:$0x1] =	stream.linear.gather [hbm4b:s14+s2], $0x80, $0x38;
	[tilespmem:$0x11000] =	vst v63  }
0xac: {  	s14 =	sand.u32 $0x1FFFFFF0, s16;
	s16 =	spop (v2sf)  }
0xad: {  	[tilespmem:s18], [sflag:$0x1] =	stream.linear.gather [hbm4b:s15+s2], $0x80, $0x38;
	[tilespmem:$0x11000] =	vst v63  }
0xae: {  	s17 =	sadd.s32 $0x1600, s13;
	s14 =	sadd.s32 s3, s14;
	s16 =	sshll.u32 s16, $0x4  }
0xaf: {  	[tilespmem:s18], [sflag:$0x1] =	stream.linear.gather [hbm4b:s15+s2], $0x80, $0x38;
	[tilespmem:$0x11000] =	vst v63  }
0xb0: {  	s15 =	sand.u32 $0x1FFFFFF0, s16;
	s16 =	spop (v2sf)  }
0xb1: {  	[tilespmem:s17], [sflag:$0x1] =	stream.linear.gather [hbm4b:s14+s2], $0x80, $0x38;
	[tilespmem:$0x11000] =	vst v63  }
0xb2: {  	s18 =	sadd.s32 $0x1680, s13;
	s15 =	sadd.s32 s3, s15;
	s16 =	sshll.u32 s16, $0x4  }
0xb3: {  	[tilespmem:s17], [sflag:$0x1] =	stream.linear.gather [hbm4b:s14+s2], $0x80, $0x38;
	[tilespmem:$0x11000] =	vst v63  }
0xb4: {  	s14 =	sand.u32 $0x1FFFFFF0, s16;
	s16 =	spop (v2sf)  }
0xb5: {  	[tilespmem:s18], [sflag:$0x1] =	stream.linear.gather [hbm4b:s15+s2], $0x80, $0x38;
	[tilespmem:$0x11000] =	vst v63  }
0xb6: {  	s17 =	sadd.s32 $0x1700, s13;
	s19 =	sadd.s32 s3, s14;
	s14 =	sshll.u32 s16, $0x4  }
0xb7: {  	[tilespmem:s18], [sflag:$0x1] =	stream.linear.gather [hbm4b:s15+s2], $0x80, $0x38;
	[tilespmem:$0x11000] =	vst v63  }
.Ltmp0:
0xb8: {  	s15 =	sand.u32 $0x1FFFFFF0, s14;
	(pc) =	sbr.rel @p0 .LBB2_2-.Ltmp0, $4  }
0xb9: {  	[tilespmem:s17], [sflag:$0x1] =	stream.linear.gather [hbm4b:s19+s2], $0x80, $0x38;
	[tilespmem:$0x11000] =	vst v63  }
0xba: {  	s14 =	sadd.s32 $0x1780, s13;
	s15 =	sadd.s32 s3, s15  }
0xbb: {  	[tilespmem:s17], [sflag:$0x1] =	stream.linear.gather [hbm4b:s19+s2], $0x80, $0x38;
	[tilespmem:$0x11000] =	vst v63  }
0xbc: {  	s12 =	sadd.s32 $0x80, s12  }
0xbd: {  	[tilespmem:s14], [sflag:$0x1] =	stream.linear.gather [hbm4b:s15+s2], $0x80, $0x38;
	[tilespmem:$0x11000] =	vst v63  }
0xbe: {  	_ = 	snop  }
0xbf: {  	[tilespmem:s14], [sflag:$0x1] =	stream.linear.gather [hbm4b:s15+s2], $0x80, $0x38;
	[tilespmem:$0x11000] =	vst v63  }
0xc0: {  	_ =	swait.ge [sflag:s8], $0x80  }
0xc1: {  	s11 =	simm.s32 $0x1FF;
	[sflag:s8] =	ssyncset.done $0x0  }
.LBB2_4:
0xc2: {  	p0 =	sne.s32 s11, $0x1;
	s11 =	sadd.s32 $0xFFFFFFFF, s11;
	[sflag:s8] =	ssyncadd.s32 $0xFFFFFF80  }
.Ltmp1:
0xc3: {  	(pc) =	sbr.rel @p0 .LBB2_4-.Ltmp1, $3  }
0xc4: {  	_ =	sdelay $0x1  }
0xc5: {  	_ =	swait.ge [sflag:s8], $0x80  }
0xc6: {  	[sflag:s8] =	ssyncset.done $0x0  }
0xc7: {  	s10 =	sadd.s32 $0x1, s10  }
0xc8: {  	p0 =	sne.s32 s10, s6  }
.Ltmp2:
0xc9: {  	[sflag:s8] =	ssyncadd.s32 $0xFFFFFF80;
	(pc) =	sbr.rel @p0 .LBB2_1-.Ltmp2, $4  }
0xca: {  	[hbm4b:s5+s2] =	stream.linear.scatter [tilespmem:s9], [sflag:$0x2], $0x10000, $0x38;
	[tilespmem:$0x11000] =	vst v63  }
0xcb: {  	_ =	swait.ge [sflag:s7], $0x10000  }
0xcc: {  	[sflag:s7] =	ssyncset.done $0x0  }
0xcd: {  	[sflag:s7] =	ssyncadd.s32 $0xFFFF0000  }
0xce: {  	_ =	sfence.sel $0x180000  }
0xcf: {  	[bflag:$0x0] =	sbarrier.arrive $0xFFFF  }
0xd0: {  	p0 =	sne.s32 s1, $0x0;
	_ =	strace $0x90000047  }
0xd1: {  	s0 =	sadd.s32 @!p0 $0x100000, s0;
	[bflag:$0x2] =	sbarrier.arrive $0xFFFF  }
0xd2: {  	[sflag:s0] =	ssyncadd.tile.s32 @!p0 $0x1;
	_ =	shalt  }
.Lfunc_end2:
_tile_overlayer_lowered:
.L_overlay_start_2:
0xd3: {  	(tag) =	ssettag $0x2  }
0xd4: {  	s0 =	rddreg [dreg:$0x0];
	s2 =	stileid.u32  }
0xd5: {  	s1 =	rddreg [dreg:$0x1];
	p0 =	sne.s32 s2, $0x0  }
0xd6: {  	s3 =	rddreg [dreg:$0x2];
	[bflag:$0x3] =	sbarrier.arrive $0xFFFF;
	s2 =	simm.s32 @!p0 $0x1C02  }
0xd7: {  	[timem:s3], [sflag:s2] =	dma.local @!p0 [hbm:s0], s1  }
0xd8: {  	s0 =	simm.s32 @!p0 $0x2  }
0xd9: {  	_ =	swait.ge @!p0 [sflag:s0], s1  }
0xda: {  	s1 =	ssub.s32 @!p0 $0x0, s1;
	[sflag:s0] =	ssyncset.done @!p0 $0x0  }
0xdb: {  	[sflag:s0] =	ssyncadd.s32 @!p0 s1  }
0xdc: {  	[bflag:$0x3] =	sbarrier.arrive $0xFFFF  }
0xdd: {  	_ =	shalt  }

</sc_bundles>
